<compile_context>
chip_gen: v7x
topology: tpu7x:2x2x1
jax: 0.10.2.dev20260603
libtpu: 0.0.44.dev20260713+nightly
codegen_flags: <defaults>
</compile_context>

<pallas_src>
import functools

import jax
import jax.numpy as jnp
from jax import lax
from jax.experimental import pallas as pl
from jax.experimental.pallas import tpu as pltpu
from jax.experimental.pallas import tpu_sc as plsc

_B = 16384
_T = 200
_N = 26
_V = 1_000_000
_NC = 2
_NS = 16
_NW = _NC * _NS
_BT = _B * _T
_EPW = _BT // _NW
_CH = 8
_E = _EPW // _CH
_TCHUNK = 62528
_SS = 6400


def _gather_body(idx_hbm, tab_hbm, out_hbm, tab_sh,
                 idx_a, idx_b, vals_a, vals_b, stage_a, stage_b,
                 sem_i0, sem_i1, sem_g0, sem_g1, sem_w0, sem_w1,
                 sem_r0, sem_r1, sem_s0, sem_s1):
    cid = lax.axis_index("c")
    sid = lax.axis_index("s")
    wid = sid * _NC + cid

    start = jnp.minimum(sid * _TCHUNK, _V - _TCHUNK)
    subs = []
    off = 0
    while off < _TCHUNK:
        sz = min(_SS, _TCHUNK - off)
        subs.append((off, sz))
        off += sz
    stages = (stage_a, stage_b)
    rsems = (sem_r0, sem_r1)
    ssems = (sem_s0, sem_s1)
    hw = [None, None]
    hr = [None, None]
    o0, z0 = subs[0]
    hr[0] = pltpu.async_copy(tab_hbm.at[pl.ds(start + o0, z0)],
                             stages[0].at[pl.ds(0, z0)], rsems[0])
    for k, (o, sz) in enumerate(subs):
        b = k % 2
        nb = (k + 1) % 2
        hr[b].wait()
        if k + 1 < len(subs):
            no, nsz = subs[k + 1]
            if hw[nb] is not None:
                hw[nb].wait()
                hw[nb] = None
            hr[nb] = pltpu.async_copy(tab_hbm.at[pl.ds(start + no, nsz)],
                                      stages[nb].at[pl.ds(0, nsz)],
                                      rsems[nb])
        hw[b] = pltpu.async_copy(stages[b].at[pl.ds(0, sz)],
                                 tab_sh.at[pl.ds(start + o, sz)], ssems[b])
    for b in range(2):
        if hw[b] is not None:
            hw[b].wait()
    plsc.subcore_barrier()

    idxs = (idx_a, idx_b)
    vals = (vals_a, vals_b)
    isems = (sem_i0, sem_i1)
    gsems = (sem_g0, sem_g1)
    wsems = (sem_w0, sem_w1)
    base = wid * _EPW
    ih = [None, None]
    vw = [None, None]
    ih[0] = pltpu.async_copy(idx_hbm.at[pl.ds(base, _E)], idxs[0], isems[0])
    for c in range(_CH):
        b = c % 2
        nb = (c + 1) % 2
        ih[b].wait()
        if vw[b] is not None:
            vw[b].wait()
            vw[b] = None
        gh = pltpu.async_copy(tab_sh.at[idxs[b]], vals[b], gsems[b])
        if c + 1 < _CH:
            off2 = base + (c + 1) * _E
            ih[nb] = pltpu.async_copy(idx_hbm.at[pl.ds(off2, _E)],
                                      idxs[nb], isems[nb])
        gh.wait()
        vw[b] = pltpu.async_copy(vals[b],
                                 out_hbm.at[pl.ds(base + c * _E, _E)],
                                 wsems[b])
    for b in range(2):
        if vw[b] is not None:
            vw[b].wait()


@functools.cache
def _gather_sc():
    mesh = plsc.VectorSubcoreMesh(
        core_axis_name="c", subcore_axis_name="s",
        num_cores=_NC, num_subcores=_NS,
    )
    return pl.kernel(
        _gather_body,
        out_type=jax.ShapeDtypeStruct((_BT,), jnp.float32),
        mesh=mesh,
        scratch_types=[
            pltpu.VMEM_SHARED((_V,), jnp.float32),
            pltpu.VMEM((_E,), jnp.int32),
            pltpu.VMEM((_E,), jnp.int32),
            pltpu.VMEM((_E,), jnp.float32),
            pltpu.VMEM((_E,), jnp.float32),
            pltpu.VMEM((_SS,), jnp.float32),
            pltpu.VMEM((_SS,), jnp.float32),
        ] + [pltpu.SemaphoreType.DMA] * 10,
        compiler_params=pltpu.CompilerParams(
            use_tc_tiling_on_sc=False, needs_layout_passes=False),
    )


def _stats_body(num_ref, stat_ref):
    col0 = num_ref[0:1, :]
    s = jnp.sum(col0)
    ss = jnp.sum(col0 * col0)
    mean = s / _B
    var = (ss - s * s / _B) / (_B - 1)
    inv = lax.rsqrt(var)
    r = lax.broadcasted_iota(jnp.int32, (8, 128), 0)
    c = lax.broadcasted_iota(jnp.int32, (8, 128), 1)
    first = (r == 0) & (c == 0)
    second = (r == 0) & (c == 1)
    stat_ref[...] = jnp.where(first, mean, jnp.where(second, inv, 0.0))


_stats_call = pl.pallas_call(
    _stats_body,
    grid=(1,),
    in_specs=[pl.BlockSpec((_N, _B), lambda i: (0, 0))],
    out_specs=pl.BlockSpec((8, 128), lambda i: (0, 0)),
    out_shape=jax.ShapeDtypeStruct((8, 128), jnp.float32),
)


def _finish_body(stat_ref, num_ref, outn_ref, maskn_ref):
    mean = stat_ref[0, 0]
    inv = stat_ref[0, 1]
    x = num_ref[...]
    row = lax.broadcasted_iota(jnp.int32, x.shape, 0)
    y = jnp.where(row == 0, (x - mean) * inv, x)
    nan = jnp.isnan(y)
    outn_ref[...] = jnp.where(nan, 0.0, y)
    maskn_ref[...] = ~nan


_finish_call = pl.pallas_call(
    _finish_body,
    grid=(1,),
    in_specs=[
        pl.BlockSpec((8, 128), lambda i: (0, 0)),
        pl.BlockSpec((_N, _B), lambda i: (0, 0)),
    ],
    out_specs=[
        pl.BlockSpec((_N, _B), lambda i: (0, 0)),
        pl.BlockSpec((_N, _B), lambda i: (0, 0)),
    ],
    out_shape=[
        jax.ShapeDtypeStruct((_N, _B), jnp.float32),
        jax.ShapeDtypeStruct((_N, _B), jnp.bool_),
    ],
)


def kernel(text_indices, numeric_values, embedding_table):
    idx = text_indices.T.reshape(_BT)
    tab = embedding_table[:, 0]
    gathered = _gather_sc()(idx, tab)
    num_t = numeric_values.T
    stats = _stats_call(num_t)
    out_num_t, mask_num_t = _finish_call(stats, num_t)
    out_flat = jnp.concatenate([gathered, out_num_t.reshape(_N * _B)])
    out = out_flat.reshape(_T + _N, _B).T[:, :, None]
    mask_flat = jnp.pad(mask_num_t.reshape(_N * _B), (_T * _B, 0),
                        constant_values=True)
    mask = mask_flat.reshape(_T + _N, _B).T[:, :, None]
    return out, mask

# --- scband reference (transcript-rebuilt; emitter-appended) ---
"""Pipeline reference for scband-input-encoder-1717986918485 (READ-ONLY COPY).

The authoritative reference and input builder live on the scoring server;
editing this copy changes nothing except your own understanding.
"""

import jax, jax.numpy as jnp
import numpy as np

B = 16384
T_TEXT = 200
N_NUM = 26
VOCAB = 1000000
EMB_DIM = 1


def setup_inputs(seed: int = 0) -> dict:
    key = jax.random.key(seed)
    k1, k2, k3 = jax.random.split(key, 3)
    text_indices = jax.random.randint(k1, (B, T_TEXT), 0, VOCAB)
    numeric_values = jax.random.normal(k2, (B, N_NUM), dtype=jnp.float32)
    # learned parameter: the expandable vocabulary embedding table
    embedding_table = jax.random.normal(k3, (VOCAB, EMB_DIM), dtype=jnp.float32)
    return {
        "text_indices": text_indices,
        "numeric_values": numeric_values,
        "embedding_table": embedding_table,
    }


def reference(text_indices, numeric_values, embedding_table):
    # Input_Encoder.forward, tensorized:
    # 1) normalize the first numeric field ('ToA') across the batch
    #    (torch.std is unbiased -> ddof=1)
    col0 = numeric_values[:, 0]
    mean = jnp.mean(col0)
    std = jnp.std(col0, ddof=1)
    normalized = (col0 - mean) / std
    numeric = numeric_values.at[:, 0].set(normalized)
    # 2) embedding lookup of all text tokens (ExpandableVocabularyEmbedding.forward)
    text_emb = jnp.take(embedding_table, text_indices, axis=0)  # [B, T_TEXT, EMB_DIM]
    # 3) per-row cat of text embeddings [T, D] with numeric.unsqueeze(1) [N, 1]
    #    (requires EMB_DIM == 1, as in the original code), then stack over batch
    out = jnp.concatenate([text_emb, numeric[:, :, None]], axis=1)  # [B, T_TEXT+N_NUM, 1]
    # 4) NaN mask and NaN -> 0 replacement
    nan_mask = jnp.isnan(out)
    output_mask = ~nan_mask
    out = jnp.where(nan_mask, jnp.zeros_like(out), out)
    return out, output_mask

if __name__ == "__main__":
    import jax
    _d = setup_inputs()
    print(jax.jit(kernel)(*tuple(_d.values())))

</pallas_src>

<mosaic_0001>
#map = affine_map<(d0, d1) -> (0)>
module attributes {stable_mosaic.version = 14 : i64} {
  func.func @_gather_body(%arg0: i32, %arg1: i32, %arg2: memref<3276800xi32, #tpu.memory_space<hbm>>, %arg3: memref<1000000xf32, #tpu.memory_space<hbm>>, %arg4: memref<3276800xf32, #tpu.memory_space<hbm>>, %arg5: memref<1000000xf32, #tpu.memory_space<vmem_shared>>, %arg6: memref<12800xi32, #tpu.memory_space<vmem>>, %arg7: memref<12800xi32, #tpu.memory_space<vmem>>, %arg8: memref<12800xf32, #tpu.memory_space<vmem>>, %arg9: memref<12800xf32, #tpu.memory_space<vmem>>, %arg10: memref<6400xf32, #tpu.memory_space<vmem>>, %arg11: memref<6400xf32, #tpu.memory_space<vmem>>, %arg12: memref<!tpu.dma_semaphore, #tpu.memory_space<semaphore_mem>>, %arg13: memref<!tpu.dma_semaphore, #tpu.memory_space<semaphore_mem>>, %arg14: memref<!tpu.dma_semaphore, #tpu.memory_space<semaphore_mem>>, %arg15: memref<!tpu.dma_semaphore, #tpu.memory_space<semaphore_mem>>, %arg16: memref<!tpu.dma_semaphore, #tpu.memory_space<semaphore_mem>>, %arg17: memref<!tpu.dma_semaphore, #tpu.memory_space<semaphore_mem>>, %arg18: memref<!tpu.dma_semaphore, #tpu.memory_space<semaphore_mem>>, %arg19: memref<!tpu.dma_semaphore, #tpu.memory_space<semaphore_mem>>, %arg20: memref<!tpu.dma_semaphore, #tpu.memory_space<semaphore_mem>>, %arg21: memref<!tpu.dma_semaphore, #tpu.memory_space<semaphore_mem>>) attributes {dimension_semantics = [#tpu.dimension_semantics<core_parallel>, #tpu.dimension_semantics<subcore_parallel>], iteration_bounds = array<i64: 2, 16>, scalar_prefetch = 0 : i64, scratch_operands = 17 : i64, tpu.core_type = #tpu.core_type<sc_vector_subcore>, window_params = [{transform_indices = #map}, {transform_indices = #map}, {transform_indices = #map}]} {
    %mul3A = arith.constant 2 : i32
    %mul3A_0 = arith.muli %arg1, %mul3A : i32
    %add3A = arith.addi %mul3A_0, %arg0 : i32
    %mul3A_1 = arith.constant 62528 : i32
    %mul3A_2 = arith.muli %arg1, %mul3A_1 : i32
    %min3A = arith.constant 937472 : i32
    %min3A_3 = arith.minsi %mul3A_2, %min3A : i32
    %add3A_4 = arith.constant 0 : i32
    %add3A_5 = arith.addi %min3A_3, %add3A_4 : i32
    %dma_start3A = arith.constant 0 : i32
    %dma_start3A_6 = tpu.memref_slice %arg10[%dma_start3A] : memref<6400xf32, #tpu.memory_space<vmem>> -> memref<6400xf32, #tpu.memory_space<vmem>>
    %dma_start3A_7 = tpu.memref_slice %arg3[%add3A_5] : memref<1000000xf32, #tpu.memory_space<hbm>> -> memref<6400xf32, #tpu.memory_space<hbm>>
    %dma_start3A_8 = arith.constant 0 : i32
    %dma_start3A_9 = tpu.memref_slice %arg10[%dma_start3A_8] : memref<6400xf32, #tpu.memory_space<vmem>> -> memref<6400xf32, #tpu.memory_space<vmem>>
    %dma_start3A_10 = tpu.memref_slice %arg3[%add3A_5] : memref<1000000xf32, #tpu.memory_space<hbm>> -> memref<6400xf32, #tpu.memory_space<hbm>>
    tpu.enqueue_dma source(%dma_start3A_10 : memref<6400xf32, #tpu.memory_space<hbm>>) target(%dma_start3A_9 : memref<6400xf32, #tpu.memory_space<vmem>>) target_semaphore(%arg18 : memref<!tpu.dma_semaphore, #tpu.memory_space<semaphore_mem>>)
    %dma_wait3A = arith.constant 0 : i32
    %dma_wait3A_11 = tpu.memref_slice %arg10[%dma_wait3A] : memref<6400xf32, #tpu.memory_space<vmem>> -> memref<6400xf32, #tpu.memory_space<vmem>>
    %dma_wait3A_12 = tpu.memref_slice %arg3[%add3A_5] : memref<1000000xf32, #tpu.memory_space<hbm>> -> memref<6400xf32, #tpu.memory_space<hbm>>
    %dma_wait3A_13 = arith.constant 0 : i32
    %dma_wait3A_14 = tpu.memref_slice %arg10[%dma_wait3A_13] : memref<6400xf32, #tpu.memory_space<vmem>> -> memref<6400xf32, #tpu.memory_space<vmem>>
    %dma_wait3A_15 = tpu.memref_slice %arg3[%add3A_5] : memref<1000000xf32, #tpu.memory_space<hbm>> -> memref<6400xf32, #tpu.memory_space<hbm>>
    tpu.wait_dma2 semaphore(%arg18 : memref<!tpu.dma_semaphore, #tpu.memory_space<semaphore_mem>>) src(%dma_wait3A_15 : memref<6400xf32, #tpu.memory_space<hbm>>) dst(%dma_wait3A_14 : memref<6400xf32, #tpu.memory_space<vmem>>)
    %add3A_16 = arith.constant 6400 : i32
    %add3A_17 = arith.addi %min3A_3, %add3A_16 : i32
    %dma_start3A_18 = arith.constant 0 : i32
    %dma_start3A_19 = tpu.memref_slice %arg11[%dma_start3A_18] : memref<6400xf32, #tpu.memory_space<vmem>> -> memref<6400xf32, #tpu.memory_space<vmem>>
    %dma_start3A_20 = tpu.memref_slice %arg3[%add3A_17] : memref<1000000xf32, #tpu.memory_space<hbm>> -> memref<6400xf32, #tpu.memory_space<hbm>>
    %dma_start3A_21 = arith.constant 0 : i32
    %dma_start3A_22 = tpu.memref_slice %arg11[%dma_start3A_21] : memref<6400xf32, #tpu.memory_space<vmem>> -> memref<6400xf32, #tpu.memory_space<vmem>>
    %dma_start3A_23 = tpu.memref_slice %arg3[%add3A_17] : memref<1000000xf32, #tpu.memory_space<hbm>> -> memref<6400xf32, #tpu.memory_space<hbm>>
    tpu.enqueue_dma source(%dma_start3A_23 : memref<6400xf32, #tpu.memory_space<hbm>>) target(%dma_start3A_22 : memref<6400xf32, #tpu.memory_space<vmem>>) target_semaphore(%arg19 : memref<!tpu.dma_semaphore, #tpu.memory_space<semaphore_mem>>)
    %add3A_24 = arith.constant 0 : i32
    %add3A_25 = arith.addi %min3A_3, %add3A_24 : i32
    %dma_start3A_26 = arith.constant 0 : i32
    %dma_start3A_27 = tpu.memref_slice %arg10[%dma_start3A_26] : memref<6400xf32, #tpu.memory_space<vmem>> -> memref<6400xf32, #tpu.memory_space<vmem>>
    %dma_start3A_28 = tpu.memref_slice %arg5[%add3A_25] : memref<1000000xf32, #tpu.memory_space<vmem_shared>> -> memref<6400xf32, #tpu.memory_space<vmem_shared>>
    %dma_start3A_29 = tpu.memref_slice %arg5[%add3A_25] : memref<1000000xf32, #tpu.memory_space<vmem_shared>> -> memref<6400xf32, #tpu.memory_space<vmem_shared>>
    %dma_start3A_30 = arith.constant 0 : i32
    %dma_start3A_31 = tpu.memref_slice %arg10[%dma_start3A_30] : memref<6400xf32, #tpu.memory_space<vmem>> -> memref<6400xf32, #tpu.memory_space<vmem>>
    tpu.enqueue_dma source(%dma_start3A_31 : memref<6400xf32, #tpu.memory_space<vmem>>) target(%dma_start3A_29 : memref<6400xf32, #tpu.memory_space<vmem_shared>>) target_semaphore(%arg20 : memref<!tpu.dma_semaphore, #tpu.memory_space<semaphore_mem>>)
    %dma_wait3A_32 = arith.constant 0 : i32
    %dma_wait3A_33 = tpu.memref_slice %arg11[%dma_wait3A_32] : memref<6400xf32, #tpu.memory_space<vmem>> -> memref<6400xf32, #tpu.memory_space<vmem>>
    %dma_wait3A_34 = tpu.memref_slice %arg3[%add3A_17] : memref<1000000xf32, #tpu.memory_space<hbm>> -> memref<6400xf32, #tpu.memory_space<hbm>>
    %dma_wait3A_35 = arith.constant 0 : i32
    %dma_wait3A_36 = tpu.memref_slice %arg11[%dma_wait3A_35] : memref<6400xf32, #tpu.memory_space<vmem>> -> memref<6400xf32, #tpu.memory_space<vmem>>
    %dma_wait3A_37 = tpu.memref_slice %arg3[%add3A_17] : memref<1000000xf32, #tpu.memory_space<hbm>> -> memref<6400xf32, #tpu.memory_space<hbm>>
    tpu.wait_dma2 semaphore(%arg19 : memref<!tpu.dma_semaphore, #tpu.memory_space<semaphore_mem>>) src(%dma_wait3A_37 : memref<6400xf32, #tpu.memory_space<hbm>>) dst(%dma_wait3A_36 : memref<6400xf32, #tpu.memory_space<vmem>>)
    %dma_wait3A_38 = arith.constant 0 : i32
    %dma_wait3A_39 = tpu.memref_slice %arg10[%dma_wait3A_38] : memref<6400xf32, #tpu.memory_space<vmem>> -> memref<6400xf32, #tpu.memory_space<vmem>>
    %dma_wait3A_40 = tpu.memref_slice %arg5[%add3A_25] : memref<1000000xf32, #tpu.memory_space<vmem_shared>> -> memref<6400xf32, #tpu.memory_space<vmem_shared>>
    %dma_wait3A_41 = tpu.memref_slice %arg5[%add3A_25] : memref<1000000xf32, #tpu.memory_space<vmem_shared>> -> memref<6400xf32, #tpu.memory_space<vmem_shared>>
    %dma_wait3A_42 = arith.constant 0 : i32
    %dma_wait3A_43 = tpu.memref_slice %arg10[%dma_wait3A_42] : memref<6400xf32, #tpu.memory_space<vmem>> -> memref<6400xf32, #tpu.memory_space<vmem>>
    tpu.wait_dma2 semaphore(%arg20 : memref<!tpu.dma_semaphore, #tpu.memory_space<semaphore_mem>>) src(%dma_wait3A_43 : memref<6400xf32, #tpu.memory_space<vmem>>) dst(%dma_wait3A_41 : memref<6400xf32, #tpu.memory_space<vmem_shared>>)
    %add3A_44 = arith.constant 12800 : i32
    %add3A_45 = arith.addi %min3A_3, %add3A_44 : i32
    %dma_start3A_46 = arith.constant 0 : i32
    %dma_start3A_47 = tpu.memref_slice %arg10[%dma_start3A_46] : memref<6400xf32, #tpu.memory_space<vmem>> -> memref<6400xf32, #tpu.memory_space<vmem>>
    %dma_start3A_48 = tpu.memref_slice %arg3[%add3A_45] : memref<1000000xf32, #tpu.memory_space<hbm>> -> memref<6400xf32, #tpu.memory_space<hbm>>
    %dma_start3A_49 = arith.constant 0 : i32
    %dma_start3A_50 = tpu.memref_slice %arg10[%dma_start3A_49] : memref<6400xf32, #tpu.memory_space<vmem>> -> memref<6400xf32, #tpu.memory_space<vmem>>
    %dma_start3A_51 = tpu.memref_slice %arg3[%add3A_45] : memref<1000000xf32, #tpu.memory_space<hbm>> -> memref<6400xf32, #tpu.memory_space<hbm>>
    tpu.enqueue_dma source(%dma_start3A_51 : memref<6400xf32, #tpu.memory_space<hbm>>) target(%dma_start3A_50 : memref<6400xf32, #tpu.memory_space<vmem>>) target_semaphore(%arg18 : memref<!tpu.dma_semaphore, #tpu.memory_space<semaphore_mem>>)
    %add3A_52 = arith.constant 6400 : i32
    %add3A_53 = arith.addi %min3A_3, %add3A_52 : i32
    %dma_start3A_54 = arith.constant 0 : i32
    %dma_start3A_55 = tpu.memref_slice %arg11[%dma_start3A_54] : memref<6400xf32, #tpu.memory_space<vmem>> -> memref<6400xf32, #tpu.memory_space<vmem>>
    %dma_start3A_56 = tpu.memref_slice %arg5[%add3A_53] : memref<1000000xf32, #tpu.memory_space<vmem_shared>> -> memref<6400xf32, #tpu.memory_space<vmem_shared>>
    %dma_start3A_57 = tpu.memref_slice %arg5[%add3A_53] : memref<1000000xf32, #tpu.memory_space<vmem_shared>> -> memref<6400xf32, #tpu.memory_space<vmem_shared>>
    %dma_start3A_58 = arith.constant 0 : i32
    %dma_start3A_59 = tpu.memref_slice %arg11[%dma_start3A_58] : memref<6400xf32, #tpu.memory_space<vmem>> -> memref<6400xf32, #tpu.memory_space<vmem>>
    tpu.enqueue_dma source(%dma_start3A_59 : memref<6400xf32, #tpu.memory_space<vmem>>) target(%dma_start3A_57 : memref<6400xf32, #tpu.memory_space<vmem_shared>>) target_semaphore(%arg21 : memref<!tpu.dma_semaphore, #tpu.memory_space<semaphore_mem>>)
    %dma_wait3A_60 = arith.constant 0 : i32
    %dma_wait3A_61 = tpu.memref_slice %arg10[%dma_wait3A_60] : memref<6400xf32, #tpu.memory_space<vmem>> -> memref<6400xf32, #tpu.memory_space<vmem>>
    %dma_wait3A_62 = tpu.memref_slice %arg3[%add3A_45] : memref<1000000xf32, #tpu.memory_space<hbm>> -> memref<6400xf32, #tpu.memory_space<hbm>>
    %dma_wait3A_63 = arith.constant 0 : i32
    %dma_wait3A_64 = tpu.memref_slice %arg10[%dma_wait3A_63] : memref<6400xf32, #tpu.memory_space<vmem>> -> memref<6400xf32, #tpu.memory_space<vmem>>
    %dma_wait3A_65 = tpu.memref_slice %arg3[%add3A_45] : memref<1000000xf32, #tpu.memory_space<hbm>> -> memref<6400xf32, #tpu.memory_space<hbm>>
    tpu.wait_dma2 semaphore(%arg18 : memref<!tpu.dma_semaphore, #tpu.memory_space<semaphore_mem>>) src(%dma_wait3A_65 : memref<6400xf32, #tpu.memory_space<hbm>>) dst(%dma_wait3A_64 : memref<6400xf32, #tpu.memory_space<vmem>>)
    %dma_wait3A_66 = arith.constant 0 : i32
    %dma_wait3A_67 = tpu.memref_slice %arg11[%dma_wait3A_66] : memref<6400xf32, #tpu.memory_space<vmem>> -> memref<6400xf32, #tpu.memory_space<vmem>>
    %dma_wait3A_68 = tpu.memref_slice %arg5[%add3A_53] : memref<1000000xf32, #tpu.memory_space<vmem_shared>> -> memref<6400xf32, #tpu.memory_space<vmem_shared>>
    %dma_wait3A_69 = tpu.memref_slice %arg5[%add3A_53] : memref<1000000xf32, #tpu.memory_space<vmem_shared>> -> memref<6400xf32, #tpu.memory_space<vmem_shared>>
    %dma_wait3A_70 = arith.constant 0 : i32
    %dma_wait3A_71 = tpu.memref_slice %arg11[%dma_wait3A_70] : memref<6400xf32, #tpu.memory_space<vmem>> -> memref<6400xf32, #tpu.memory_space<vmem>>
    tpu.wait_dma2 semaphore(%arg21 : memref<!tpu.dma_semaphore, #tpu.memory_space<semaphore_mem>>) src(%dma_wait3A_71 : memref<6400xf32, #tpu.memory_space<vmem>>) dst(%dma_wait3A_69 : memref<6400xf32, #tpu.memory_space<vmem_shared>>)
    %add3A_72 = arith.constant 19200 : i32
    %add3A_73 = arith.addi %min3A_3, %add3A_72 : i32
    %dma_start3A_74 = arith.constant 0 : i32
    %dma_start3A_75 = tpu.memref_slice %arg11[%dma_start3A_74] : memref<6400xf32, #tpu.memory_space<vmem>> -> memref<6400xf32, #tpu.memory_space<vmem>>
    %dma_start3A_76 = tpu.memref_slice %arg3[%add3A_73] : memref<1000000xf32, #tpu.memory_space<hbm>> -> memref<6400xf32, #tpu.memory_space<hbm>>
    %dma_start3A_77 = arith.constant 0 : i32
    %dma_start3A_78 = tpu.memref_slice %arg11[%dma_start3A_77] : memref<6400xf32, #tpu.memory_space<vmem>> -> memref<6400xf32, #tpu.memory_space<vmem>>
    %dma_start3A_79 = tpu.memref_slice %arg3[%add3A_73] : memref<1000000xf32, #tpu.memory_space<hbm>> -> memref<6400xf32, #tpu.memory_space<hbm>>
    tpu.enqueue_dma source(%dma_start3A_79 : memref<6400xf32, #tpu.memory_space<hbm>>) target(%dma_start3A_78 : memref<6400xf32, #tpu.memory_space<vmem>>) target_semaphore(%arg19 : memref<!tpu.dma_semaphore, #tpu.memory_space<semaphore_mem>>)
    %add3A_80 = arith.constant 12800 : i32
    %add3A_81 = arith.addi %min3A_3, %add3A_80 : i32
    %dma_start3A_82 = arith.constant 0 : i32
    %dma_start3A_83 = tpu.memref_slice %arg10[%dma_start3A_82] : memref<6400xf32, #tpu.memory_space<vmem>> -> memref<6400xf32, #tpu.memory_space<vmem>>
    %dma_start3A_84 = tpu.memref_slice %arg5[%add3A_81] : memref<1000000xf32, #tpu.memory_space<vmem_shared>> -> memref<6400xf32, #tpu.memory_space<vmem_shared>>
    %dma_start3A_85 = tpu.memref_slice %arg5[%add3A_81] : memref<1000000xf32, #tpu.memory_space<vmem_shared>> -> memref<6400xf32, #tpu.memory_space<vmem_shared>>
    %dma_start3A_86 = arith.constant 0 : i32
    %dma_start3A_87 = tpu.memref_slice %arg10[%dma_start3A_86] : memref<6400xf32, #tpu.memory_space<vmem>> -> memref<6400xf32, #tpu.memory_space<vmem>>
    tpu.enqueue_dma source(%dma_start3A_87 : memref<6400xf32, #tpu.memory_space<vmem>>) target(%dma_start3A_85 : memref<6400xf32, #tpu.memory_space<vmem_shared>>) target_semaphore(%arg20 : memref<!tpu.dma_semaphore, #tpu.memory_space<semaphore_mem>>)
    %dma_wait3A_88 = arith.constant 0 : i32
    %dma_wait3A_89 = tpu.memref_slice %arg11[%dma_wait3A_88] : memref<6400xf32, #tpu.memory_space<vmem>> -> memref<6400xf32, #tpu.memory_space<vmem>>
    %dma_wait3A_90 = tpu.memref_slice %arg3[%add3A_73] : memref<1000000xf32, #tpu.memory_space<hbm>> -> memref<6400xf32, #tpu.memory_space<hbm>>
    %dma_wait3A_91 = arith.constant 0 : i32
    %dma_wait3A_92 = tpu.memref_slice %arg11[%dma_wait3A_91] : memref<6400xf32, #tpu.memory_space<vmem>> -> memref<6400xf32, #tpu.memory_space<vmem>>
    %dma_wait3A_93 = tpu.memref_slice %arg3[%add3A_73] : memref<1000000xf32, #tpu.memory_space<hbm>> -> memref<6400xf32, #tpu.memory_space<hbm>>
    tpu.wait_dma2 semaphore(%arg19 : memref<!tpu.dma_semaphore, #tpu.memory_space<semaphore_mem>>) src(%dma_wait3A_93 : memref<6400xf32, #tpu.memory_space<hbm>>) dst(%dma_wait3A_92 : memref<6400xf32, #tpu.memory_space<vmem>>)
    %dma_wait3A_94 = arith.constant 0 : i32
    %dma_wait3A_95 = tpu.memref_slice %arg10[%dma_wait3A_94] : memref<6400xf32, #tpu.memory_space<vmem>> -> memref<6400xf32, #tpu.memory_space<vmem>>
    %dma_wait3A_96 = tpu.memref_slice %arg5[%add3A_81] : memref<1000000xf32, #tpu.memory_space<vmem_shared>> -> memref<6400xf32, #tpu.memory_space<vmem_shared>>
    %dma_wait3A_97 = tpu.memref_slice %arg5[%add3A_81] : memref<1000000xf32, #tpu.memory_space<vmem_shared>> -> memref<6400xf32, #tpu.memory_space<vmem_shared>>
    %dma_wait3A_98 = arith.constant 0 : i32
    %dma_wait3A_99 = tpu.memref_slice %arg10[%dma_wait3A_98] : memref<6400xf32, #tpu.memory_space<vmem>> -> memref<6400xf32, #tpu.memory_space<vmem>>
    tpu.wait_dma2 semaphore(%arg20 : memref<!tpu.dma_semaphore, #tpu.memory_space<semaphore_mem>>) src(%dma_wait3A_99 : memref<6400xf32, #tpu.memory_space<vmem>>) dst(%dma_wait3A_97 : memref<6400xf32, #tpu.memory_space<vmem_shared>>)
    %add3A_100 = arith.constant 25600 : i32
    %add3A_101 = arith.addi %min3A_3, %add3A_100 : i32
    %dma_start3A_102 = arith.constant 0 : i32
    %dma_start3A_103 = tpu.memref_slice %arg10[%dma_start3A_102] : memref<6400xf32, #tpu.memory_space<vmem>> -> memref<6400xf32, #tpu.memory_space<vmem>>
    %dma_start3A_104 = tpu.memref_slice %arg3[%add3A_101] : memref<1000000xf32, #tpu.memory_space<hbm>> -> memref<6400xf32, #tpu.memory_space<hbm>>
    %dma_start3A_105 = arith.constant 0 : i32
    %dma_start3A_106 = tpu.memref_slice %arg10[%dma_start3A_105] : memref<6400xf32, #tpu.memory_space<vmem>> -> memref<6400xf32, #tpu.memory_space<vmem>>
    %dma_start3A_107 = tpu.memref_slice %arg3[%add3A_101] : memref<1000000xf32, #tpu.memory_space<hbm>> -> memref<6400xf32, #tpu.memory_space<hbm>>
    tpu.enqueue_dma source(%dma_start3A_107 : memref<6400xf32, #tpu.memory_space<hbm>>) target(%dma_start3A_106 : memref<6400xf32, #tpu.memory_space<vmem>>) target_semaphore(%arg18 : memref<!tpu.dma_semaphore, #tpu.memory_space<semaphore_mem>>)
    %add3A_108 = arith.constant 19200 : i32
    %add3A_109 = arith.addi %min3A_3, %add3A_108 : i32
    %dma_start3A_110 = arith.constant 0 : i32
    %dma_start3A_111 = tpu.memref_slice %arg11[%dma_start3A_110] : memref<6400xf32, #tpu.memory_space<vmem>> -> memref<6400xf32, #tpu.memory_space<vmem>>
    %dma_start3A_112 = tpu.memref_slice %arg5[%add3A_109] : memref<1000000xf32, #tpu.memory_space<vmem_shared>> -> memref<6400xf32, #tpu.memory_space<vmem_shared>>
    %dma_start3A_113 = tpu.memref_slice %arg5[%add3A_109] : memref<1000000xf32, #tpu.memory_space<vmem_shared>> -> memref<6400xf32, #tpu.memory_space<vmem_shared>>
    %dma_start3A_114 = arith.constant 0 : i32
    %dma_start3A_115 = tpu.memref_slice %arg11[%dma_start3A_114] : memref<6400xf32, #tpu.memory_space<vmem>> -> memref<6400xf32, #tpu.memory_space<vmem>>
    tpu.enqueue_dma source(%dma_start3A_115 : memref<6400xf32, #tpu.memory_space<vmem>>) target(%dma_start3A_113 : memref<6400xf32, #tpu.memory_space<vmem_shared>>) target_semaphore(%arg21 : memref<!tpu.dma_semaphore, #tpu.memory_space<semaphore_mem>>)
    %dma_wait3A_116 = arith.constant 0 : i32
    %dma_wait3A_117 = tpu.memref_slice %arg10[%dma_wait3A_116] : memref<6400xf32, #tpu.memory_space<vmem>> -> memref<6400xf32, #tpu.memory_space<vmem>>
    %dma_wait3A_118 = tpu.memref_slice %arg3[%add3A_101] : memref<1000000xf32, #tpu.memory_space<hbm>> -> memref<6400xf32, #tpu.memory_space<hbm>>
    %dma_wait3A_119 = arith.constant 0 : i32
    %dma_wait3A_120 = tpu.memref_slice %arg10[%dma_wait3A_119] : memref<6400xf32, #tpu.memory_space<vmem>> -> memref<6400xf32, #tpu.memory_space<vmem>>
    %dma_wait3A_121 = tpu.memref_slice %arg3[%add3A_101] : memref<1000000xf32, #tpu.memory_space<hbm>> -> memref<6400xf32, #tpu.memory_space<hbm>>
    tpu.wait_dma2 semaphore(%arg18 : memref<!tpu.dma_semaphore, #tpu.memory_space<semaphore_mem>>) src(%dma_wait3A_121 : memref<6400xf32, #tpu.memory_space<hbm>>) dst(%dma_wait3A_120 : memref<6400xf32, #tpu.memory_space<vmem>>)
    %dma_wait3A_122 = arith.constant 0 : i32
    %dma_wait3A_123 = tpu.memref_slice %arg11[%dma_wait3A_122] : memref<6400xf32, #tpu.memory_space<vmem>> -> memref<6400xf32, #tpu.memory_space<vmem>>
    %dma_wait3A_124 = tpu.memref_slice %arg5[%add3A_109] : memref<1000000xf32, #tpu.memory_space<vmem_shared>> -> memref<6400xf32, #tpu.memory_space<vmem_shared>>
    %dma_wait3A_125 = tpu.memref_slice %arg5[%add3A_109] : memref<1000000xf32, #tpu.memory_space<vmem_shared>> -> memref<6400xf32, #tpu.memory_space<vmem_shared>>
    %dma_wait3A_126 = arith.constant 0 : i32
    %dma_wait3A_127 = tpu.memref_slice %arg11[%dma_wait3A_126] : memref<6400xf32, #tpu.memory_space<vmem>> -> memref<6400xf32, #tpu.memory_space<vmem>>
    tpu.wait_dma2 semaphore(%arg21 : memref<!tpu.dma_semaphore, #tpu.memory_space<semaphore_mem>>) src(%dma_wait3A_127 : memref<6400xf32, #tpu.memory_space<vmem>>) dst(%dma_wait3A_125 : memref<6400xf32, #tpu.memory_space<vmem_shared>>)
    %add3A_128 = arith.constant 32000 : i32
    %add3A_129 = arith.addi %min3A_3, %add3A_128 : i32
    %dma_start3A_130 = arith.constant 0 : i32
    %dma_start3A_131 = tpu.memref_slice %arg11[%dma_start3A_130] : memref<6400xf32, #tpu.memory_space<vmem>> -> memref<6400xf32, #tpu.memory_space<vmem>>
    %dma_start3A_132 = tpu.memref_slice %arg3[%add3A_129] : memref<1000000xf32, #tpu.memory_space<hbm>> -> memref<6400xf32, #tpu.memory_space<hbm>>
    %dma_start3A_133 = arith.constant 0 : i32
    %dma_start3A_134 = tpu.memref_slice %arg11[%dma_start3A_133] : memref<6400xf32, #tpu.memory_space<vmem>> -> memref<6400xf32, #tpu.memory_space<vmem>>
    %dma_start3A_135 = tpu.memref_slice %arg3[%add3A_129] : memref<1000000xf32, #tpu.memory_space<hbm>> -> memref<6400xf32, #tpu.memory_space<hbm>>
    tpu.enqueue_dma source(%dma_start3A_135 : memref<6400xf32, #tpu.memory_space<hbm>>) target(%dma_start3A_134 : memref<6400xf32, #tpu.memory_space<vmem>>) target_semaphore(%arg19 : memref<!tpu.dma_semaphore, #tpu.memory_space<semaphore_mem>>)
    %add3A_136 = arith.constant 25600 : i32
    %add3A_137 = arith.addi %min3A_3, %add3A_136 : i32
    %dma_start3A_138 = arith.constant 0 : i32
    %dma_start3A_139 = tpu.memref_slice %arg10[%dma_start3A_138] : memref<6400xf32, #tpu.memory_space<vmem>> -> memref<6400xf32, #tpu.memory_space<vmem>>
    %dma_start3A_140 = tpu.memref_slice %arg5[%add3A_137] : memref<1000000xf32, #tpu.memory_space<vmem_shared>> -> memref<6400xf32, #tpu.memory_space<vmem_shared>>
    %dma_start3A_141 = tpu.memref_slice %arg5[%add3A_137] : memref<1000000xf32, #tpu.memory_space<vmem_shared>> -> memref<6400xf32, #tpu.memory_space<vmem_shared>>
    %dma_start3A_142 = arith.constant 0 : i32
    %dma_start3A_143 = tpu.memref_slice %arg10[%dma_start3A_142] : memref<6400xf32, #tpu.memory_space<vmem>> -> memref<6400xf32, #tpu.memory_space<vmem>>
    tpu.enqueue_dma source(%dma_start3A_143 : memref<6400xf32, #tpu.memory_space<vmem>>) target(%dma_start3A_141 : memref<6400xf32, #tpu.memory_space<vmem_shared>>) target_semaphore(%arg20 : memref<!tpu.dma_semaphore, #tpu.memory_space<semaphore_mem>>)
    %dma_wait3A_144 = arith.constant 0 : i32
    %dma_wait3A_145 = tpu.memref_slice %arg11[%dma_wait3A_144] : memref<6400xf32, #tpu.memory_space<vmem>> -> memref<6400xf32, #tpu.memory_space<vmem>>
    %dma_wait3A_146 = tpu.memref_slice %arg3[%add3A_129] : memref<1000000xf32, #tpu.memory_space<hbm>> -> memref<6400xf32, #tpu.memory_space<hbm>>
    %dma_wait3A_147 = arith.constant 0 : i32
    %dma_wait3A_148 = tpu.memref_slice %arg11[%dma_wait3A_147] : memref<6400xf32, #tpu.memory_space<vmem>> -> memref<6400xf32, #tpu.memory_space<vmem>>
    %dma_wait3A_149 = tpu.memref_slice %arg3[%add3A_129] : memref<1000000xf32, #tpu.memory_space<hbm>> -> memref<6400xf32, #tpu.memory_space<hbm>>
    tpu.wait_dma2 semaphore(%arg19 : memref<!tpu.dma_semaphore, #tpu.memory_space<semaphore_mem>>) src(%dma_wait3A_149 : memref<6400xf32, #tpu.memory_space<hbm>>) dst(%dma_wait3A_148 : memref<6400xf32, #tpu.memory_space<vmem>>)
    %dma_wait3A_150 = arith.constant 0 : i32
    %dma_wait3A_151 = tpu.memref_slice %arg10[%dma_wait3A_150] : memref<6400xf32, #tpu.memory_space<vmem>> -> memref<6400xf32, #tpu.memory_space<vmem>>
    %dma_wait3A_152 = tpu.memref_slice %arg5[%add3A_137] : memref<1000000xf32, #tpu.memory_space<vmem_shared>> -> memref<6400xf32, #tpu.memory_space<vmem_shared>>
    %dma_wait3A_153 = tpu.memref_slice %arg5[%add3A_137] : memref<1000000xf32, #tpu.memory_space<vmem_shared>> -> memref<6400xf32, #tpu.memory_space<vmem_shared>>
    %dma_wait3A_154 = arith.constant 0 : i32
    %dma_wait3A_155 = tpu.memref_slice %arg10[%dma_wait3A_154] : memref<6400xf32, #tpu.memory_space<vmem>> -> memref<6400xf32, #tpu.memory_space<vmem>>
    tpu.wait_dma2 semaphore(%arg20 : memref<!tpu.dma_semaphore, #tpu.memory_space<semaphore_mem>>) src(%dma_wait3A_155 : memref<6400xf32, #tpu.memory_space<vmem>>) dst(%dma_wait3A_153 : memref<6400xf32, #tpu.memory_space<vmem_shared>>)
    %add3A_156 = arith.constant 38400 : i32
    %add3A_157 = arith.addi %min3A_3, %add3A_156 : i32
    %dma_start3A_158 = arith.constant 0 : i32
    %dma_start3A_159 = tpu.memref_slice %arg10[%dma_start3A_158] : memref<6400xf32, #tpu.memory_space<vmem>> -> memref<6400xf32, #tpu.memory_space<vmem>>
    %dma_start3A_160 = tpu.memref_slice %arg3[%add3A_157] : memref<1000000xf32, #tpu.memory_space<hbm>> -> memref<6400xf32, #tpu.memory_space<hbm>>
    %dma_start3A_161 = arith.constant 0 : i32
    %dma_start3A_162 = tpu.memref_slice %arg10[%dma_start3A_161] : memref<6400xf32, #tpu.memory_space<vmem>> -> memref<6400xf32, #tpu.memory_space<vmem>>
    %dma_start3A_163 = tpu.memref_slice %arg3[%add3A_157] : memref<1000000xf32, #tpu.memory_space<hbm>> -> memref<6400xf32, #tpu.memory_space<hbm>>
    tpu.enqueue_dma source(%dma_start3A_163 : memref<6400xf32, #tpu.memory_space<hbm>>) target(%dma_start3A_162 : memref<6400xf32, #tpu.memory_space<vmem>>) target_semaphore(%arg18 : memref<!tpu.dma_semaphore, #tpu.memory_space<semaphore_mem>>)
    %add3A_164 = arith.constant 32000 : i32
    %add3A_165 = arith.addi %min3A_3, %add3A_164 : i32
    %dma_start3A_166 = arith.constant 0 : i32
    %dma_start3A_167 = tpu.memref_slice %arg11[%dma_start3A_166] : memref<6400xf32, #tpu.memory_space<vmem>> -> memref<6400xf32, #tpu.memory_space<vmem>>
    %dma_start3A_168 = tpu.memref_slice %arg5[%add3A_165] : memref<1000000xf32, #tpu.memory_space<vmem_shared>> -> memref<6400xf32, #tpu.memory_space<vmem_shared>>
    %dma_start3A_169 = tpu.memref_slice %arg5[%add3A_165] : memref<1000000xf32, #tpu.memory_space<vmem_shared>> -> memref<6400xf32, #tpu.memory_space<vmem_shared>>
    %dma_start3A_170 = arith.constant 0 : i32
    %dma_start3A_171 = tpu.memref_slice %arg11[%dma_start3A_170] : memref<6400xf32, #tpu.memory_space<vmem>> -> memref<6400xf32, #tpu.memory_space<vmem>>
    tpu.enqueue_dma source(%dma_start3A_171 : memref<6400xf32, #tpu.memory_space<vmem>>) target(%dma_start3A_169 : memref<6400xf32, #tpu.memory_space<vmem_shared>>) target_semaphore(%arg21 : memref<!tpu.dma_semaphore, #tpu.memory_space<semaphore_mem>>)
    %dma_wait3A_172 = arith.constant 0 : i32
    %dma_wait3A_173 = tpu.memref_slice %arg10[%dma_wait3A_172] : memref<6400xf32, #tpu.memory_space<vmem>> -> memref<6400xf32, #tpu.memory_space<vmem>>
    %dma_wait3A_174 = tpu.memref_slice %arg3[%add3A_157] : memref<1000000xf32, #tpu.memory_space<hbm>> -> memref<6400xf32, #tpu.memory_space<hbm>>
    %dma_wait3A_175 = arith.constant 0 : i32
    %dma_wait3A_176 = tpu.memref_slice %arg10[%dma_wait3A_175] : memref<6400xf32, #tpu.memory_space<vmem>> -> memref<6400xf32, #tpu.memory_space<vmem>>
    %dma_wait3A_177 = tpu.memref_slice %arg3[%add3A_157] : memref<1000000xf32, #tpu.memory_space<hbm>> -> memref<6400xf32, #tpu.memory_space<hbm>>
    tpu.wait_dma2 semaphore(%arg18 : memref<!tpu.dma_semaphore, #tpu.memory_space<semaphore_mem>>) src(%dma_wait3A_177 : memref<6400xf32, #tpu.memory_space<hbm>>) dst(%dma_wait3A_176 : memref<6400xf32, #tpu.memory_space<vmem>>)
    %dma_wait3A_178 = arith.constant 0 : i32
    %dma_wait3A_179 = tpu.memref_slice %arg11[%dma_wait3A_178] : memref<6400xf32, #tpu.memory_space<vmem>> -> memref<6400xf32, #tpu.memory_space<vmem>>
    %dma_wait3A_180 = tpu.memref_slice %arg5[%add3A_165] : memref<1000000xf32, #tpu.memory_space<vmem_shared>> -> memref<6400xf32, #tpu.memory_space<vmem_shared>>
    %dma_wait3A_181 = tpu.memref_slice %arg5[%add3A_165] : memref<1000000xf32, #tpu.memory_space<vmem_shared>> -> memref<6400xf32, #tpu.memory_space<vmem_shared>>
    %dma_wait3A_182 = arith.constant 0 : i32
    %dma_wait3A_183 = tpu.memref_slice %arg11[%dma_wait3A_182] : memref<6400xf32, #tpu.memory_space<vmem>> -> memref<6400xf32, #tpu.memory_space<vmem>>
    tpu.wait_dma2 semaphore(%arg21 : memref<!tpu.dma_semaphore, #tpu.memory_space<semaphore_mem>>) src(%dma_wait3A_183 : memref<6400xf32, #tpu.memory_space<vmem>>) dst(%dma_wait3A_181 : memref<6400xf32, #tpu.memory_space<vmem_shared>>)
    %add3A_184 = arith.constant 44800 : i32
    %add3A_185 = arith.addi %min3A_3, %add3A_184 : i32
    %dma_start3A_186 = arith.constant 0 : i32
    %dma_start3A_187 = tpu.memref_slice %arg11[%dma_start3A_186] : memref<6400xf32, #tpu.memory_space<vmem>> -> memref<6400xf32, #tpu.memory_space<vmem>>
    %dma_start3A_188 = tpu.memref_slice %arg3[%add3A_185] : memref<1000000xf32, #tpu.memory_space<hbm>> -> memref<6400xf32, #tpu.memory_space<hbm>>
    %dma_start3A_189 = arith.constant 0 : i32
    %dma_start3A_190 = tpu.memref_slice %arg11[%dma_start3A_189] : memref<6400xf32, #tpu.memory_space<vmem>> -> memref<6400xf32, #tpu.memory_space<vmem>>
    %dma_start3A_191 = tpu.memref_slice %arg3[%add3A_185] : memref<1000000xf32, #tpu.memory_space<hbm>> -> memref<6400xf32, #tpu.memory_space<hbm>>
    tpu.enqueue_dma source(%dma_start3A_191 : memref<6400xf32, #tpu.memory_space<hbm>>) target(%dma_start3A_190 : memref<6400xf32, #tpu.memory_space<vmem>>) target_semaphore(%arg19 : memref<!tpu.dma_semaphore, #tpu.memory_space<semaphore_mem>>)
    %add3A_192 = arith.constant 38400 : i32
    %add3A_193 = arith.addi %min3A_3, %add3A_192 : i32
    %dma_start3A_194 = arith.constant 0 : i32
    %dma_start3A_195 = tpu.memref_slice %arg10[%dma_start3A_194] : memref<6400xf32, #tpu.memory_space<vmem>> -> memref<6400xf32, #tpu.memory_space<vmem>>
    %dma_start3A_196 = tpu.memref_slice %arg5[%add3A_193] : memref<1000000xf32, #tpu.memory_space<vmem_shared>> -> memref<6400xf32, #tpu.memory_space<vmem_shared>>
    %dma_start3A_197 = tpu.memref_slice %arg5[%add3A_193] : memref<1000000xf32, #tpu.memory_space<vmem_shared>> -> memref<6400xf32, #tpu.memory_space<vmem_shared>>
    %dma_start3A_198 = arith.constant 0 : i32
    %dma_start3A_199 = tpu.memref_slice %arg10[%dma_start3A_198] : memref<6400xf32, #tpu.memory_space<vmem>> -> memref<6400xf32, #tpu.memory_space<vmem>>
    tpu.enqueue_dma source(%dma_start3A_199 : memref<6400xf32, #tpu.memory_space<vmem>>) target(%dma_start3A_197 : memref<6400xf32, #tpu.memory_space<vmem_shared>>) target_semaphore(%arg20 : memref<!tpu.dma_semaphore, #tpu.memory_space<semaphore_mem>>)
    %dma_wait3A_200 = arith.constant 0 : i32
    %dma_wait3A_201 = tpu.memref_slice %arg11[%dma_wait3A_200] : memref<6400xf32, #tpu.memory_space<vmem>> -> memref<6400xf32, #tpu.memory_space<vmem>>
    %dma_wait3A_202 = tpu.memref_slice %arg3[%add3A_185] : memref<1000000xf32, #tpu.memory_space<hbm>> -> memref<6400xf32, #tpu.memory_space<hbm>>
    %dma_wait3A_203 = arith.constant 0 : i32
    %dma_wait3A_204 = tpu.memref_slice %arg11[%dma_wait3A_203] : memref<6400xf32, #tpu.memory_space<vmem>> -> memref<6400xf32, #tpu.memory_space<vmem>>
    %dma_wait3A_205 = tpu.memref_slice %arg3[%add3A_185] : memref<1000000xf32, #tpu.memory_space<hbm>> -> memref<6400xf32, #tpu.memory_space<hbm>>
    tpu.wait_dma2 semaphore(%arg19 : memref<!tpu.dma_semaphore, #tpu.memory_space<semaphore_mem>>) src(%dma_wait3A_205 : memref<6400xf32, #tpu.memory_space<hbm>>) dst(%dma_wait3A_204 : memref<6400xf32, #tpu.memory_space<vmem>>)
    %dma_wait3A_206 = arith.constant 0 : i32
    %dma_wait3A_207 = tpu.memref_slice %arg10[%dma_wait3A_206] : memref<6400xf32, #tpu.memory_space<vmem>> -> memref<6400xf32, #tpu.memory_space<vmem>>
    %dma_wait3A_208 = tpu.memref_slice %arg5[%add3A_193] : memref<1000000xf32, #tpu.memory_space<vmem_shared>> -> memref<6400xf32, #tpu.memory_space<vmem_shared>>
    %dma_wait3A_209 = tpu.memref_slice %arg5[%add3A_193] : memref<1000000xf32, #tpu.memory_space<vmem_shared>> -> memref<6400xf32, #tpu.memory_space<vmem_shared>>
    %dma_wait3A_210 = arith.constant 0 : i32
    %dma_wait3A_211 = tpu.memref_slice %arg10[%dma_wait3A_210] : memref<6400xf32, #tpu.memory_space<vmem>> -> memref<6400xf32, #tpu.memory_space<vmem>>
    tpu.wait_dma2 semaphore(%arg20 : memref<!tpu.dma_semaphore, #tpu.memory_space<semaphore_mem>>) src(%dma_wait3A_211 : memref<6400xf32, #tpu.memory_space<vmem>>) dst(%dma_wait3A_209 : memref<6400xf32, #tpu.memory_space<vmem_shared>>)
    %add3A_212 = arith.constant 51200 : i32
    %add3A_213 = arith.addi %min3A_3, %add3A_212 : i32
    %dma_start3A_214 = arith.constant 0 : i32
    %dma_start3A_215 = tpu.memref_slice %arg10[%dma_start3A_214] : memref<6400xf32, #tpu.memory_space<vmem>> -> memref<6400xf32, #tpu.memory_space<vmem>>
    %dma_start3A_216 = tpu.memref_slice %arg3[%add3A_213] : memref<1000000xf32, #tpu.memory_space<hbm>> -> memref<6400xf32, #tpu.memory_space<hbm>>
    %dma_start3A_217 = arith.constant 0 : i32
    %dma_start3A_218 = tpu.memref_slice %arg10[%dma_start3A_217] : memref<6400xf32, #tpu.memory_space<vmem>> -> memref<6400xf32, #tpu.memory_space<vmem>>
    %dma_start3A_219 = tpu.memref_slice %arg3[%add3A_213] : memref<1000000xf32, #tpu.memory_space<hbm>> -> memref<6400xf32, #tpu.memory_space<hbm>>
    tpu.enqueue_dma source(%dma_start3A_219 : memref<6400xf32, #tpu.memory_space<hbm>>) target(%dma_start3A_218 : memref<6400xf32, #tpu.memory_space<vmem>>) target_semaphore(%arg18 : memref<!tpu.dma_semaphore, #tpu.memory_space<semaphore_mem>>)
    %add3A_220 = arith.constant 44800 : i32
    %add3A_221 = arith.addi %min3A_3, %add3A_220 : i32
    %dma_start3A_222 = arith.constant 0 : i32
    %dma_start3A_223 = tpu.memref_slice %arg11[%dma_start3A_222] : memref<6400xf32, #tpu.memory_space<vmem>> -> memref<6400xf32, #tpu.memory_space<vmem>>
    %dma_start3A_224 = tpu.memref_slice %arg5[%add3A_221] : memref<1000000xf32, #tpu.memory_space<vmem_shared>> -> memref<6400xf32, #tpu.memory_space<vmem_shared>>
    %dma_start3A_225 = tpu.memref_slice %arg5[%add3A_221] : memref<1000000xf32, #tpu.memory_space<vmem_shared>> -> memref<6400xf32, #tpu.memory_space<vmem_shared>>
    %dma_start3A_226 = arith.constant 0 : i32
    %dma_start3A_227 = tpu.memref_slice %arg11[%dma_start3A_226] : memref<6400xf32, #tpu.memory_space<vmem>> -> memref<6400xf32, #tpu.memory_space<vmem>>
    tpu.enqueue_dma source(%dma_start3A_227 : memref<6400xf32, #tpu.memory_space<vmem>>) target(%dma_start3A_225 : memref<6400xf32, #tpu.memory_space<vmem_shared>>) target_semaphore(%arg21 : memref<!tpu.dma_semaphore, #tpu.memory_space<semaphore_mem>>)
    %dma_wait3A_228 = arith.constant 0 : i32
    %dma_wait3A_229 = tpu.memref_slice %arg10[%dma_wait3A_228] : memref<6400xf32, #tpu.memory_space<vmem>> -> memref<6400xf32, #tpu.memory_space<vmem>>
    %dma_wait3A_230 = tpu.memref_slice %arg3[%add3A_213] : memref<1000000xf32, #tpu.memory_space<hbm>> -> memref<6400xf32, #tpu.memory_space<hbm>>
    %dma_wait3A_231 = arith.constant 0 : i32
    %dma_wait3A_232 = tpu.memref_slice %arg10[%dma_wait3A_231] : memref<6400xf32, #tpu.memory_space<vmem>> -> memref<6400xf32, #tpu.memory_space<vmem>>
    %dma_wait3A_233 = tpu.memref_slice %arg3[%add3A_213] : memref<1000000xf32, #tpu.memory_space<hbm>> -> memref<6400xf32, #tpu.memory_space<hbm>>
    tpu.wait_dma2 semaphore(%arg18 : memref<!tpu.dma_semaphore, #tpu.memory_space<semaphore_mem>>) src(%dma_wait3A_233 : memref<6400xf32, #tpu.memory_space<hbm>>) dst(%dma_wait3A_232 : memref<6400xf32, #tpu.memory_space<vmem>>)
    %dma_wait3A_234 = arith.constant 0 : i32
    %dma_wait3A_235 = tpu.memref_slice %arg11[%dma_wait3A_234] : memref<6400xf32, #tpu.memory_space<vmem>> -> memref<6400xf32, #tpu.memory_space<vmem>>
    %dma_wait3A_236 = tpu.memref_slice %arg5[%add3A_221] : memref<1000000xf32, #tpu.memory_space<vmem_shared>> -> memref<6400xf32, #tpu.memory_space<vmem_shared>>
    %dma_wait3A_237 = tpu.memref_slice %arg5[%add3A_221] : memref<1000000xf32, #tpu.memory_space<vmem_shared>> -> memref<6400xf32, #tpu.memory_space<vmem_shared>>
    %dma_wait3A_238 = arith.constant 0 : i32
    %dma_wait3A_239 = tpu.memref_slice %arg11[%dma_wait3A_238] : memref<6400xf32, #tpu.memory_space<vmem>> -> memref<6400xf32, #tpu.memory_space<vmem>>
    tpu.wait_dma2 semaphore(%arg21 : memref<!tpu.dma_semaphore, #tpu.memory_space<semaphore_mem>>) src(%dma_wait3A_239 : memref<6400xf32, #tpu.memory_space<vmem>>) dst(%dma_wait3A_237 : memref<6400xf32, #tpu.memory_space<vmem_shared>>)
    %add3A_240 = arith.constant 57600 : i32
    %add3A_241 = arith.addi %min3A_3, %add3A_240 : i32
    %dma_start3A_242 = arith.constant 0 : i32
    %dma_start3A_243 = tpu.memref_slice %arg11[%dma_start3A_242] : memref<6400xf32, #tpu.memory_space<vmem>> -> memref<4928xf32, #tpu.memory_space<vmem>>
    %dma_start3A_244 = tpu.memref_slice %arg3[%add3A_241] : memref<1000000xf32, #tpu.memory_space<hbm>> -> memref<4928xf32, #tpu.memory_space<hbm>>
    %dma_start3A_245 = arith.constant 0 : i32
    %dma_start3A_246 = tpu.memref_slice %arg11[%dma_start3A_245] : memref<6400xf32, #tpu.memory_space<vmem>> -> memref<4928xf32, #tpu.memory_space<vmem>>
    %dma_start3A_247 = tpu.memref_slice %arg3[%add3A_241] : memref<1000000xf32, #tpu.memory_space<hbm>> -> memref<4928xf32, #tpu.memory_space<hbm>>
    tpu.enqueue_dma source(%dma_start3A_247 : memref<4928xf32, #tpu.memory_space<hbm>>) target(%dma_start3A_246 : memref<4928xf32, #tpu.memory_space<vmem>>) target_semaphore(%arg19 : memref<!tpu.dma_semaphore, #tpu.memory_space<semaphore_mem>>)
    %add3A_248 = arith.constant 51200 : i32
    %add3A_249 = arith.addi %min3A_3, %add3A_248 : i32
    %dma_start3A_250 = arith.constant 0 : i32
    %dma_start3A_251 = tpu.memref_slice %arg10[%dma_start3A_250] : memref<6400xf32, #tpu.memory_space<vmem>> -> memref<6400xf32, #tpu.memory_space<vmem>>
    %dma_start3A_252 = tpu.memref_slice %arg5[%add3A_249] : memref<1000000xf32, #tpu.memory_space<vmem_shared>> -> memref<6400xf32, #tpu.memory_space<vmem_shared>>
    %dma_start3A_253 = tpu.memref_slice %arg5[%add3A_249] : memref<1000000xf32, #tpu.memory_space<vmem_shared>> -> memref<6400xf32, #tpu.memory_space<vmem_shared>>
    %dma_start3A_254 = arith.constant 0 : i32
    %dma_start3A_255 = tpu.memref_slice %arg10[%dma_start3A_254] : memref<6400xf32, #tpu.memory_space<vmem>> -> memref<6400xf32, #tpu.memory_space<vmem>>
    tpu.enqueue_dma source(%dma_start3A_255 : memref<6400xf32, #tpu.memory_space<vmem>>) target(%dma_start3A_253 : memref<6400xf32, #tpu.memory_space<vmem_shared>>) target_semaphore(%arg20 : memref<!tpu.dma_semaphore, #tpu.memory_space<semaphore_mem>>)
    %dma_wait3A_256 = arith.constant 0 : i32
    %dma_wait3A_257 = tpu.memref_slice %arg11[%dma_wait3A_256] : memref<6400xf32, #tpu.memory_space<vmem>> -> memref<4928xf32, #tpu.memory_space<vmem>>
    %dma_wait3A_258 = tpu.memref_slice %arg3[%add3A_241] : memref<1000000xf32, #tpu.memory_space<hbm>> -> memref<4928xf32, #tpu.memory_space<hbm>>
    %dma_wait3A_259 = arith.constant 0 : i32
    %dma_wait3A_260 = tpu.memref_slice %arg11[%dma_wait3A_259] : memref<6400xf32, #tpu.memory_space<vmem>> -> memref<4928xf32, #tpu.memory_space<vmem>>
    %dma_wait3A_261 = tpu.memref_slice %arg3[%add3A_241] : memref<1000000xf32, #tpu.memory_space<hbm>> -> memref<4928xf32, #tpu.memory_space<hbm>>
    tpu.wait_dma2 semaphore(%arg19 : memref<!tpu.dma_semaphore, #tpu.memory_space<semaphore_mem>>) src(%dma_wait3A_261 : memref<4928xf32, #tpu.memory_space<hbm>>) dst(%dma_wait3A_260 : memref<4928xf32, #tpu.memory_space<vmem>>)
    %add3A_262 = arith.constant 57600 : i32
    %add3A_263 = arith.addi %min3A_3, %add3A_262 : i32
    %dma_start3A_264 = arith.constant 0 : i32
    %dma_start3A_265 = tpu.memref_slice %arg11[%dma_start3A_264] : memref<6400xf32, #tpu.memory_space<vmem>> -> memref<4928xf32, #tpu.memory_space<vmem>>
    %dma_start3A_266 = tpu.memref_slice %arg5[%add3A_263] : memref<1000000xf32, #tpu.memory_space<vmem_shared>> -> memref<4928xf32, #tpu.memory_space<vmem_shared>>
    %dma_start3A_267 = tpu.memref_slice %arg5[%add3A_263] : memref<1000000xf32, #tpu.memory_space<vmem_shared>> -> memref<4928xf32, #tpu.memory_space<vmem_shared>>
    %dma_start3A_268 = arith.constant 0 : i32
    %dma_start3A_269 = tpu.memref_slice %arg11[%dma_start3A_268] : memref<6400xf32, #tpu.memory_space<vmem>> -> memref<4928xf32, #tpu.memory_space<vmem>>
    tpu.enqueue_dma source(%dma_start3A_269 : memref<4928xf32, #tpu.memory_space<vmem>>) target(%dma_start3A_267 : memref<4928xf32, #tpu.memory_space<vmem_shared>>) target_semaphore(%arg21 : memref<!tpu.dma_semaphore, #tpu.memory_space<semaphore_mem>>)
    %dma_wait3A_270 = arith.constant 0 : i32
    %dma_wait3A_271 = tpu.memref_slice %arg10[%dma_wait3A_270] : memref<6400xf32, #tpu.memory_space<vmem>> -> memref<6400xf32, #tpu.memory_space<vmem>>
    %dma_wait3A_272 = tpu.memref_slice %arg5[%add3A_249] : memref<1000000xf32, #tpu.memory_space<vmem_shared>> -> memref<6400xf32, #tpu.memory_space<vmem_shared>>
    %dma_wait3A_273 = tpu.memref_slice %arg5[%add3A_249] : memref<1000000xf32, #tpu.memory_space<vmem_shared>> -> memref<6400xf32, #tpu.memory_space<vmem_shared>>
    %dma_wait3A_274 = arith.constant 0 : i32
    %dma_wait3A_275 = tpu.memref_slice %arg10[%dma_wait3A_274] : memref<6400xf32, #tpu.memory_space<vmem>> -> memref<6400xf32, #tpu.memory_space<vmem>>
    tpu.wait_dma2 semaphore(%arg20 : memref<!tpu.dma_semaphore, #tpu.memory_space<semaphore_mem>>) src(%dma_wait3A_275 : memref<6400xf32, #tpu.memory_space<vmem>>) dst(%dma_wait3A_273 : memref<6400xf32, #tpu.memory_space<vmem_shared>>)
    %dma_wait3A_276 = arith.constant 0 : i32
    %dma_wait3A_277 = tpu.memref_slice %arg11[%dma_wait3A_276] : memref<6400xf32, #tpu.memory_space<vmem>> -> memref<4928xf32, #tpu.memory_space<vmem>>
    %dma_wait3A_278 = tpu.memref_slice %arg5[%add3A_263] : memref<1000000xf32, #tpu.memory_space<vmem_shared>> -> memref<4928xf32, #tpu.memory_space<vmem_shared>>
    %dma_wait3A_279 = tpu.memref_slice %arg5[%add3A_263] : memref<1000000xf32, #tpu.memory_space<vmem_shared>> -> memref<4928xf32, #tpu.memory_space<vmem_shared>>
    %dma_wait3A_280 = arith.constant 0 : i32
    %dma_wait3A_281 = tpu.memref_slice %arg11[%dma_wait3A_280] : memref<6400xf32, #tpu.memory_space<vmem>> -> memref<4928xf32, #tpu.memory_space<vmem>>
    tpu.wait_dma2 semaphore(%arg21 : memref<!tpu.dma_semaphore, #tpu.memory_space<semaphore_mem>>) src(%dma_wait3A_281 : memref<4928xf32, #tpu.memory_space<vmem>>) dst(%dma_wait3A_279 : memref<4928xf32, #tpu.memory_space<vmem_shared>>)
    %barrier3A = arith.constant 0 : index
    tpu.barrier barrier_id(%barrier3A)
    %mul3A_282 = arith.constant 102400 : i32
    %mul3A_283 = arith.muli %add3A, %mul3A_282 : i32
    %dma_start3A_284 = tpu.memref_slice %arg2[%mul3A_283] : memref<3276800xi32, #tpu.memory_space<hbm>> -> memref<12800xi32, #tpu.memory_space<hbm>>
    %dma_start3A_285 = tpu.memref_slice %arg2[%mul3A_283] : memref<3276800xi32, #tpu.memory_space<hbm>> -> memref<12800xi32, #tpu.memory_space<hbm>>
    tpu.enqueue_dma source(%dma_start3A_285 : memref<12800xi32, #tpu.memory_space<hbm>>) target(%arg6 : memref<12800xi32, #tpu.memory_space<vmem>>) target_semaphore(%arg12 : memref<!tpu.dma_semaphore, #tpu.memory_space<semaphore_mem>>)
    %dma_wait3A_286 = tpu.memref_slice %arg2[%mul3A_283] : memref<3276800xi32, #tpu.memory_space<hbm>> -> memref<12800xi32, #tpu.memory_space<hbm>>
    %dma_wait3A_287 = tpu.memref_slice %arg2[%mul3A_283] : memref<3276800xi32, #tpu.memory_space<hbm>> -> memref<12800xi32, #tpu.memory_space<hbm>>
    tpu.wait_dma2 semaphore(%arg12 : memref<!tpu.dma_semaphore, #tpu.memory_space<semaphore_mem>>) src(%dma_wait3A_287 : memref<12800xi32, #tpu.memory_space<hbm>>) dst(%arg6 : memref<12800xi32, #tpu.memory_space<vmem>>)
    %dma_start3A_288 = arith.constant 0 : i32
    %dma_start3A_289 = tpu.memref_slice %arg5[%dma_start3A_288] : memref<1000000xf32, #tpu.memory_space<vmem_shared>> -> memref<1000000xf32, #tpu.memory_space<vmem_shared>>
    tpu.enqueue_indirect_dma source(%dma_start3A_289 : memref<1000000xf32, #tpu.memory_space<vmem_shared>>) target(%arg8 : memref<12800xf32, #tpu.memory_space<vmem>>) offsets(%arg6 : memref<12800xi32, #tpu.memory_space<vmem>>) semaphore(%arg14 : memref<!tpu.dma_semaphore, #tpu.memory_space<semaphore_mem>>)
    %add3A_290 = arith.constant 12800 : i32
    %add3A_291 = arith.addi %mul3A_283, %add3A_290 : i32
    %dma_start3A_292 = tpu.memref_slice %arg2[%add3A_291] : memref<3276800xi32, #tpu.memory_space<hbm>> -> memref<12800xi32, #tpu.memory_space<hbm>>
    %dma_start3A_293 = tpu.memref_slice %arg2[%add3A_291] : memref<3276800xi32, #tpu.memory_space<hbm>> -> memref<12800xi32, #tpu.memory_space<hbm>>
    tpu.enqueue_dma source(%dma_start3A_293 : memref<12800xi32, #tpu.memory_space<hbm>>) target(%arg7 : memref<12800xi32, #tpu.memory_space<vmem>>) target_semaphore(%arg13 : memref<!tpu.dma_semaphore, #tpu.memory_space<semaphore_mem>>)
    %dma_wait3A_294 = arith.constant 0 : i32
    %dma_wait3A_295 = tpu.memref_slice %arg5[%dma_wait3A_294] : memref<1000000xf32, #tpu.memory_space<vmem_shared>> -> memref<1000000xf32, #tpu.memory_space<vmem_shared>>
    tpu.wait_indirect_dma semaphore(%arg14 : memref<!tpu.dma_semaphore, #tpu.memory_space<semaphore_mem>>) src(%dma_wait3A_295 : memref<1000000xf32, #tpu.memory_space<vmem_shared>>) dst(%arg8 : memref<12800xf32, #tpu.memory_space<vmem>>)
    %add3A_296 = arith.constant 0 : i32
    %add3A_297 = arith.addi %mul3A_283, %add3A_296 : i32
    %dma_start3A_298 = tpu.memref_slice %arg4[%add3A_297] : memref<3276800xf32, #tpu.memory_space<hbm>> -> memref<12800xf32, #tpu.memory_space<hbm>>
    %dma_start3A_299 = tpu.memref_slice %arg4[%add3A_297] : memref<3276800xf32, #tpu.memory_space<hbm>> -> memref<12800xf32, #tpu.memory_space<hbm>>
    tpu.enqueue_dma source(%arg8 : memref<12800xf32, #tpu.memory_space<vmem>>) target(%dma_start3A_299 : memref<12800xf32, #tpu.memory_space<hbm>>) target_semaphore(%arg16 : memref<!tpu.dma_semaphore, #tpu.memory_space<semaphore_mem>>)
    %dma_wait3A_300 = tpu.memref_slice %arg2[%add3A_291] : memref<3276800xi32, #tpu.memory_space<hbm>> -> memref<12800xi32, #tpu.memory_space<hbm>>
    %dma_wait3A_301 = tpu.memref_slice %arg2[%add3A_291] : memref<3276800xi32, #tpu.memory_space<hbm>> -> memref<12800xi32, #tpu.memory_space<hbm>>
    tpu.wait_dma2 semaphore(%arg13 : memref<!tpu.dma_semaphore, #tpu.memory_space<semaphore_mem>>) src(%dma_wait3A_301 : memref<12800xi32, #tpu.memory_space<hbm>>) dst(%arg7 : memref<12800xi32, #tpu.memory_space<vmem>>)
    %dma_start3A_302 = arith.constant 0 : i32
    %dma_start3A_303 = tpu.memref_slice %arg5[%dma_start3A_302] : memref<1000000xf32, #tpu.memory_space<vmem_shared>> -> memref<1000000xf32, #tpu.memory_space<vmem_shared>>
    tpu.enqueue_indirect_dma source(%dma_start3A_303 : memref<1000000xf32, #tpu.memory_space<vmem_shared>>) target(%arg9 : memref<12800xf32, #tpu.memory_space<vmem>>) offsets(%arg7 : memref<12800xi32, #tpu.memory_space<vmem>>) semaphore(%arg15 : memref<!tpu.dma_semaphore, #tpu.memory_space<semaphore_mem>>)
    %add3A_304 = arith.constant 25600 : i32
    %add3A_305 = arith.addi %mul3A_283, %add3A_304 : i32
    %dma_start3A_306 = tpu.memref_slice %arg2[%add3A_305] : memref<3276800xi32, #tpu.memory_space<hbm>> -> memref<12800xi32, #tpu.memory_space<hbm>>
    %dma_start3A_307 = tpu.memref_slice %arg2[%add3A_305] : memref<3276800xi32, #tpu.memory_space<hbm>> -> memref<12800xi32, #tpu.memory_space<hbm>>
    tpu.enqueue_dma source(%dma_start3A_307 : memref<12800xi32, #tpu.memory_space<hbm>>) target(%arg6 : memref<12800xi32, #tpu.memory_space<vmem>>) target_semaphore(%arg12 : memref<!tpu.dma_semaphore, #tpu.memory_space<semaphore_mem>>)
    %dma_wait3A_308 = arith.constant 0 : i32
    %dma_wait3A_309 = tpu.memref_slice %arg5[%dma_wait3A_308] : memref<1000000xf32, #tpu.memory_space<vmem_shared>> -> memref<1000000xf32, #tpu.memory_space<vmem_shared>>
    tpu.wait_indirect_dma semaphore(%arg15 : memref<!tpu.dma_semaphore, #tpu.memory_space<semaphore_mem>>) src(%dma_wait3A_309 : memref<1000000xf32, #tpu.memory_space<vmem_shared>>) dst(%arg9 : memref<12800xf32, #tpu.memory_space<vmem>>)
    %add3A_310 = arith.constant 12800 : i32
    %add3A_311 = arith.addi %mul3A_283, %add3A_310 : i32
    %dma_start3A_312 = tpu.memref_slice %arg4[%add3A_311] : memref<3276800xf32, #tpu.memory_space<hbm>> -> memref<12800xf32, #tpu.memory_space<hbm>>
    %dma_start3A_313 = tpu.memref_slice %arg4[%add3A_311] : memref<3276800xf32, #tpu.memory_space<hbm>> -> memref<12800xf32, #tpu.memory_space<hbm>>
    tpu.enqueue_dma source(%arg9 : memref<12800xf32, #tpu.memory_space<vmem>>) target(%dma_start3A_313 : memref<12800xf32, #tpu.memory_space<hbm>>) target_semaphore(%arg17 : memref<!tpu.dma_semaphore, #tpu.memory_space<semaphore_mem>>)
    %dma_wait3A_314 = tpu.memref_slice %arg2[%add3A_305] : memref<3276800xi32, #tpu.memory_space<hbm>> -> memref<12800xi32, #tpu.memory_space<hbm>>
    %dma_wait3A_315 = tpu.memref_slice %arg2[%add3A_305] : memref<3276800xi32, #tpu.memory_space<hbm>> -> memref<12800xi32, #tpu.memory_space<hbm>>
    tpu.wait_dma2 semaphore(%arg12 : memref<!tpu.dma_semaphore, #tpu.memory_space<semaphore_mem>>) src(%dma_wait3A_315 : memref<12800xi32, #tpu.memory_space<hbm>>) dst(%arg6 : memref<12800xi32, #tpu.memory_space<vmem>>)
    %dma_wait3A_316 = tpu.memref_slice %arg4[%add3A_297] : memref<3276800xf32, #tpu.memory_space<hbm>> -> memref<12800xf32, #tpu.memory_space<hbm>>
    %dma_wait3A_317 = tpu.memref_slice %arg4[%add3A_297] : memref<3276800xf32, #tpu.memory_space<hbm>> -> memref<12800xf32, #tpu.memory_space<hbm>>
    tpu.wait_dma2 semaphore(%arg16 : memref<!tpu.dma_semaphore, #tpu.memory_space<semaphore_mem>>) src(%arg8 : memref<12800xf32, #tpu.memory_space<vmem>>) dst(%dma_wait3A_317 : memref<12800xf32, #tpu.memory_space<hbm>>)
    %dma_start3A_318 = arith.constant 0 : i32
    %dma_start3A_319 = tpu.memref_slice %arg5[%dma_start3A_318] : memref<1000000xf32, #tpu.memory_space<vmem_shared>> -> memref<1000000xf32, #tpu.memory_space<vmem_shared>>
    tpu.enqueue_indirect_dma source(%dma_start3A_319 : memref<1000000xf32, #tpu.memory_space<vmem_shared>>) target(%arg8 : memref<12800xf32, #tpu.memory_space<vmem>>) offsets(%arg6 : memref<12800xi32, #tpu.memory_space<vmem>>) semaphore(%arg14 : memref<!tpu.dma_semaphore, #tpu.memory_space<semaphore_mem>>)
    %add3A_320 = arith.constant 38400 : i32
    %add3A_321 = arith.addi %mul3A_283, %add3A_320 : i32
    %dma_start3A_322 = tpu.memref_slice %arg2[%add3A_321] : memref<3276800xi32, #tpu.memory_space<hbm>> -> memref<12800xi32, #tpu.memory_space<hbm>>
    %dma_start3A_323 = tpu.memref_slice %arg2[%add3A_321] : memref<3276800xi32, #tpu.memory_space<hbm>> -> memref<12800xi32, #tpu.memory_space<hbm>>
    tpu.enqueue_dma source(%dma_start3A_323 : memref<12800xi32, #tpu.memory_space<hbm>>) target(%arg7 : memref<12800xi32, #tpu.memory_space<vmem>>) target_semaphore(%arg13 : memref<!tpu.dma_semaphore, #tpu.memory_space<semaphore_mem>>)
    %dma_wait3A_324 = arith.constant 0 : i32
    %dma_wait3A_325 = tpu.memref_slice %arg5[%dma_wait3A_324] : memref<1000000xf32, #tpu.memory_space<vmem_shared>> -> memref<1000000xf32, #tpu.memory_space<vmem_shared>>
    tpu.wait_indirect_dma semaphore(%arg14 : memref<!tpu.dma_semaphore, #tpu.memory_space<semaphore_mem>>) src(%dma_wait3A_325 : memref<1000000xf32, #tpu.memory_space<vmem_shared>>) dst(%arg8 : memref<12800xf32, #tpu.memory_space<vmem>>)
    %add3A_326 = arith.constant 25600 : i32
    %add3A_327 = arith.addi %mul3A_283, %add3A_326 : i32
    %dma_start3A_328 = tpu.memref_slice %arg4[%add3A_327] : memref<3276800xf32, #tpu.memory_space<hbm>> -> memref<12800xf32, #tpu.memory_space<hbm>>
    %dma_start3A_329 = tpu.memref_slice %arg4[%add3A_327] : memref<3276800xf32, #tpu.memory_space<hbm>> -> memref<12800xf32, #tpu.memory_space<hbm>>
    tpu.enqueue_dma source(%arg8 : memref<12800xf32, #tpu.memory_space<vmem>>) target(%dma_start3A_329 : memref<12800xf32, #tpu.memory_space<hbm>>) target_semaphore(%arg16 : memref<!tpu.dma_semaphore, #tpu.memory_space<semaphore_mem>>)
    %dma_wait3A_330 = tpu.memref_slice %arg2[%add3A_321] : memref<3276800xi32, #tpu.memory_space<hbm>> -> memref<12800xi32, #tpu.memory_space<hbm>>
    %dma_wait3A_331 = tpu.memref_slice %arg2[%add3A_321] : memref<3276800xi32, #tpu.memory_space<hbm>> -> memref<12800xi32, #tpu.memory_space<hbm>>
    tpu.wait_dma2 semaphore(%arg13 : memref<!tpu.dma_semaphore, #tpu.memory_space<semaphore_mem>>) src(%dma_wait3A_331 : memref<12800xi32, #tpu.memory_space<hbm>>) dst(%arg7 : memref<12800xi32, #tpu.memory_space<vmem>>)
    %dma_wait3A_332 = tpu.memref_slice %arg4[%add3A_311] : memref<3276800xf32, #tpu.memory_space<hbm>> -> memref<12800xf32, #tpu.memory_space<hbm>>
    %dma_wait3A_333 = tpu.memref_slice %arg4[%add3A_311] : memref<3276800xf32, #tpu.memory_space<hbm>> -> memref<12800xf32, #tpu.memory_space<hbm>>
    tpu.wait_dma2 semaphore(%arg17 : memref<!tpu.dma_semaphore, #tpu.memory_space<semaphore_mem>>) src(%arg9 : memref<12800xf32, #tpu.memory_space<vmem>>) dst(%dma_wait3A_333 : memref<12800xf32, #tpu.memory_space<hbm>>)
    %dma_start3A_334 = arith.constant 0 : i32
    %dma_start3A_335 = tpu.memref_slice %arg5[%dma_start3A_334] : memref<1000000xf32, #tpu.memory_space<vmem_shared>> -> memref<1000000xf32, #tpu.memory_space<vmem_shared>>
    tpu.enqueue_indirect_dma source(%dma_start3A_335 : memref<1000000xf32, #tpu.memory_space<vmem_shared>>) target(%arg9 : memref<12800xf32, #tpu.memory_space<vmem>>) offsets(%arg7 : memref<12800xi32, #tpu.memory_space<vmem>>) semaphore(%arg15 : memref<!tpu.dma_semaphore, #tpu.memory_space<semaphore_mem>>)
    %add3A_336 = arith.constant 51200 : i32
    %add3A_337 = arith.addi %mul3A_283, %add3A_336 : i32
    %dma_start3A_338 = tpu.memref_slice %arg2[%add3A_337] : memref<3276800xi32, #tpu.memory_space<hbm>> -> memref<12800xi32, #tpu.memory_space<hbm>>
    %dma_start3A_339 = tpu.memref_slice %arg2[%add3A_337] : memref<3276800xi32, #tpu.memory_space<hbm>> -> memref<12800xi32, #tpu.memory_space<hbm>>
    tpu.enqueue_dma source(%dma_start3A_339 : memref<12800xi32, #tpu.memory_space<hbm>>) target(%arg6 : memref<12800xi32, #tpu.memory_space<vmem>>) target_semaphore(%arg12 : memref<!tpu.dma_semaphore, #tpu.memory_space<semaphore_mem>>)
    %dma_wait3A_340 = arith.constant 0 : i32
    %dma_wait3A_341 = tpu.memref_slice %arg5[%dma_wait3A_340] : memref<1000000xf32, #tpu.memory_space<vmem_shared>> -> memref<1000000xf32, #tpu.memory_space<vmem_shared>>
    tpu.wait_indirect_dma semaphore(%arg15 : memref<!tpu.dma_semaphore, #tpu.memory_space<semaphore_mem>>) src(%dma_wait3A_341 : memref<1000000xf32, #tpu.memory_space<vmem_shared>>) dst(%arg9 : memref<12800xf32, #tpu.memory_space<vmem>>)
    %add3A_342 = arith.constant 38400 : i32
    %add3A_343 = arith.addi %mul3A_283, %add3A_342 : i32
    %dma_start3A_344 = tpu.memref_slice %arg4[%add3A_343] : memref<3276800xf32, #tpu.memory_space<hbm>> -> memref<12800xf32, #tpu.memory_space<hbm>>
    %dma_start3A_345 = tpu.memref_slice %arg4[%add3A_343] : memref<3276800xf32, #tpu.memory_space<hbm>> -> memref<12800xf32, #tpu.memory_space<hbm>>
    tpu.enqueue_dma source(%arg9 : memref<12800xf32, #tpu.memory_space<vmem>>) target(%dma_start3A_345 : memref<12800xf32, #tpu.memory_space<hbm>>) target_semaphore(%arg17 : memref<!tpu.dma_semaphore, #tpu.memory_space<semaphore_mem>>)
    %dma_wait3A_346 = tpu.memref_slice %arg2[%add3A_337] : memref<3276800xi32, #tpu.memory_space<hbm>> -> memref<12800xi32, #tpu.memory_space<hbm>>
    %dma_wait3A_347 = tpu.memref_slice %arg2[%add3A_337] : memref<3276800xi32, #tpu.memory_space<hbm>> -> memref<12800xi32, #tpu.memory_space<hbm>>
    tpu.wait_dma2 semaphore(%arg12 : memref<!tpu.dma_semaphore, #tpu.memory_space<semaphore_mem>>) src(%dma_wait3A_347 : memref<12800xi32, #tpu.memory_space<hbm>>) dst(%arg6 : memref<12800xi32, #tpu.memory_space<vmem>>)
    %dma_wait3A_348 = tpu.memref_slice %arg4[%add3A_327] : memref<3276800xf32, #tpu.memory_space<hbm>> -> memref<12800xf32, #tpu.memory_space<hbm>>
    %dma_wait3A_349 = tpu.memref_slice %arg4[%add3A_327] : memref<3276800xf32, #tpu.memory_space<hbm>> -> memref<12800xf32, #tpu.memory_space<hbm>>
    tpu.wait_dma2 semaphore(%arg16 : memref<!tpu.dma_semaphore, #tpu.memory_space<semaphore_mem>>) src(%arg8 : memref<12800xf32, #tpu.memory_space<vmem>>) dst(%dma_wait3A_349 : memref<12800xf32, #tpu.memory_space<hbm>>)
    %dma_start3A_350 = arith.constant 0 : i32
    %dma_start3A_351 = tpu.memref_slice %arg5[%dma_start3A_350] : memref<1000000xf32, #tpu.memory_space<vmem_shared>> -> memref<1000000xf32, #tpu.memory_space<vmem_shared>>
    tpu.enqueue_indirect_dma source(%dma_start3A_351 : memref<1000000xf32, #tpu.memory_space<vmem_shared>>) target(%arg8 : memref<12800xf32, #tpu.memory_space<vmem>>) offsets(%arg6 : memref<12800xi32, #tpu.memory_space<vmem>>) semaphore(%arg14 : memref<!tpu.dma_semaphore, #tpu.memory_space<semaphore_mem>>)
    %add3A_352 = arith.constant 64000 : i32
    %add3A_353 = arith.addi %mul3A_283, %add3A_352 : i32
    %dma_start3A_354 = tpu.memref_slice %arg2[%add3A_353] : memref<3276800xi32, #tpu.memory_space<hbm>> -> memref<12800xi32, #tpu.memory_space<hbm>>
    %dma_start3A_355 = tpu.memref_slice %arg2[%add3A_353] : memref<3276800xi32, #tpu.memory_space<hbm>> -> memref<12800xi32, #tpu.memory_space<hbm>>
    tpu.enqueue_dma source(%dma_start3A_355 : memref<12800xi32, #tpu.memory_space<hbm>>) target(%arg7 : memref<12800xi32, #tpu.memory_space<vmem>>) target_semaphore(%arg13 : memref<!tpu.dma_semaphore, #tpu.memory_space<semaphore_mem>>)
    %dma_wait3A_356 = arith.constant 0 : i32
    %dma_wait3A_357 = tpu.memref_slice %arg5[%dma_wait3A_356] : memref<1000000xf32, #tpu.memory_space<vmem_shared>> -> memref<1000000xf32, #tpu.memory_space<vmem_shared>>
    tpu.wait_indirect_dma semaphore(%arg14 : memref<!tpu.dma_semaphore, #tpu.memory_space<semaphore_mem>>) src(%dma_wait3A_357 : memref<1000000xf32, #tpu.memory_space<vmem_shared>>) dst(%arg8 : memref<12800xf32, #tpu.memory_space<vmem>>)
    %add3A_358 = arith.constant 51200 : i32
    %add3A_359 = arith.addi %mul3A_283, %add3A_358 : i32
    %dma_start3A_360 = tpu.memref_slice %arg4[%add3A_359] : memref<3276800xf32, #tpu.memory_space<hbm>> -> memref<12800xf32, #tpu.memory_space<hbm>>
    %dma_start3A_361 = tpu.memref_slice %arg4[%add3A_359] : memref<3276800xf32, #tpu.memory_space<hbm>> -> memref<12800xf32, #tpu.memory_space<hbm>>
    tpu.enqueue_dma source(%arg8 : memref<12800xf32, #tpu.memory_space<vmem>>) target(%dma_start3A_361 : memref<12800xf32, #tpu.memory_space<hbm>>) target_semaphore(%arg16 : memref<!tpu.dma_semaphore, #tpu.memory_space<semaphore_mem>>)
    %dma_wait3A_362 = tpu.memref_slice %arg2[%add3A_353] : memref<3276800xi32, #tpu.memory_space<hbm>> -> memref<12800xi32, #tpu.memory_space<hbm>>
    %dma_wait3A_363 = tpu.memref_slice %arg2[%add3A_353] : memref<3276800xi32, #tpu.memory_space<hbm>> -> memref<12800xi32, #tpu.memory_space<hbm>>
    tpu.wait_dma2 semaphore(%arg13 : memref<!tpu.dma_semaphore, #tpu.memory_space<semaphore_mem>>) src(%dma_wait3A_363 : memref<12800xi32, #tpu.memory_space<hbm>>) dst(%arg7 : memref<12800xi32, #tpu.memory_space<vmem>>)
    %dma_wait3A_364 = tpu.memref_slice %arg4[%add3A_343] : memref<3276800xf32, #tpu.memory_space<hbm>> -> memref<12800xf32, #tpu.memory_space<hbm>>
    %dma_wait3A_365 = tpu.memref_slice %arg4[%add3A_343] : memref<3276800xf32, #tpu.memory_space<hbm>> -> memref<12800xf32, #tpu.memory_space<hbm>>
    tpu.wait_dma2 semaphore(%arg17 : memref<!tpu.dma_semaphore, #tpu.memory_space<semaphore_mem>>) src(%arg9 : memref<12800xf32, #tpu.memory_space<vmem>>) dst(%dma_wait3A_365 : memref<12800xf32, #tpu.memory_space<hbm>>)
    %dma_start3A_366 = arith.constant 0 : i32
    %dma_start3A_367 = tpu.memref_slice %arg5[%dma_start3A_366] : memref<1000000xf32, #tpu.memory_space<vmem_shared>> -> memref<1000000xf32, #tpu.memory_space<vmem_shared>>
    tpu.enqueue_indirect_dma source(%dma_start3A_367 : memref<1000000xf32, #tpu.memory_space<vmem_shared>>) target(%arg9 : memref<12800xf32, #tpu.memory_space<vmem>>) offsets(%arg7 : memref<12800xi32, #tpu.memory_space<vmem>>) semaphore(%arg15 : memref<!tpu.dma_semaphore, #tpu.memory_space<semaphore_mem>>)
    %add3A_368 = arith.constant 76800 : i32
    %add3A_369 = arith.addi %mul3A_283, %add3A_368 : i32
    %dma_start3A_370 = tpu.memref_slice %arg2[%add3A_369] : memref<3276800xi32, #tpu.memory_space<hbm>> -> memref<12800xi32, #tpu.memory_space<hbm>>
    %dma_start3A_371 = tpu.memref_slice %arg2[%add3A_369] : memref<3276800xi32, #tpu.memory_space<hbm>> -> memref<12800xi32, #tpu.memory_space<hbm>>
    tpu.enqueue_dma source(%dma_start3A_371 : memref<12800xi32, #tpu.memory_space<hbm>>) target(%arg6 : memref<12800xi32, #tpu.memory_space<vmem>>) target_semaphore(%arg12 : memref<!tpu.dma_semaphore, #tpu.memory_space<semaphore_mem>>)
    %dma_wait3A_372 = arith.constant 0 : i32
    %dma_wait3A_373 = tpu.memref_slice %arg5[%dma_wait3A_372] : memref<1000000xf32, #tpu.memory_space<vmem_shared>> -> memref<1000000xf32, #tpu.memory_space<vmem_shared>>
    tpu.wait_indirect_dma semaphore(%arg15 : memref<!tpu.dma_semaphore, #tpu.memory_space<semaphore_mem>>) src(%dma_wait3A_373 : memref<1000000xf32, #tpu.memory_space<vmem_shared>>) dst(%arg9 : memref<12800xf32, #tpu.memory_space<vmem>>)
    %add3A_374 = arith.constant 64000 : i32
    %add3A_375 = arith.addi %mul3A_283, %add3A_374 : i32
    %dma_start3A_376 = tpu.memref_slice %arg4[%add3A_375] : memref<3276800xf32, #tpu.memory_space<hbm>> -> memref<12800xf32, #tpu.memory_space<hbm>>
    %dma_start3A_377 = tpu.memref_slice %arg4[%add3A_375] : memref<3276800xf32, #tpu.memory_space<hbm>> -> memref<12800xf32, #tpu.memory_space<hbm>>
    tpu.enqueue_dma source(%arg9 : memref<12800xf32, #tpu.memory_space<vmem>>) target(%dma_start3A_377 : memref<12800xf32, #tpu.memory_space<hbm>>) target_semaphore(%arg17 : memref<!tpu.dma_semaphore, #tpu.memory_space<semaphore_mem>>)
    %dma_wait3A_378 = tpu.memref_slice %arg2[%add3A_369] : memref<3276800xi32, #tpu.memory_space<hbm>> -> memref<12800xi32, #tpu.memory_space<hbm>>
    %dma_wait3A_379 = tpu.memref_slice %arg2[%add3A_369] : memref<3276800xi32, #tpu.memory_space<hbm>> -> memref<12800xi32, #tpu.memory_space<hbm>>
    tpu.wait_dma2 semaphore(%arg12 : memref<!tpu.dma_semaphore, #tpu.memory_space<semaphore_mem>>) src(%dma_wait3A_379 : memref<12800xi32, #tpu.memory_space<hbm>>) dst(%arg6 : memref<12800xi32, #tpu.memory_space<vmem>>)
    %dma_wait3A_380 = tpu.memref_slice %arg4[%add3A_359] : memref<3276800xf32, #tpu.memory_space<hbm>> -> memref<12800xf32, #tpu.memory_space<hbm>>
    %dma_wait3A_381 = tpu.memref_slice %arg4[%add3A_359] : memref<3276800xf32, #tpu.memory_space<hbm>> -> memref<12800xf32, #tpu.memory_space<hbm>>
    tpu.wait_dma2 semaphore(%arg16 : memref<!tpu.dma_semaphore, #tpu.memory_space<semaphore_mem>>) src(%arg8 : memref<12800xf32, #tpu.memory_space<vmem>>) dst(%dma_wait3A_381 : memref<12800xf32, #tpu.memory_space<hbm>>)
    %dma_start3A_382 = arith.constant 0 : i32
    %dma_start3A_383 = tpu.memref_slice %arg5[%dma_start3A_382] : memref<1000000xf32, #tpu.memory_space<vmem_shared>> -> memref<1000000xf32, #tpu.memory_space<vmem_shared>>
    tpu.enqueue_indirect_dma source(%dma_start3A_383 : memref<1000000xf32, #tpu.memory_space<vmem_shared>>) target(%arg8 : memref<12800xf32, #tpu.memory_space<vmem>>) offsets(%arg6 : memref<12800xi32, #tpu.memory_space<vmem>>) semaphore(%arg14 : memref<!tpu.dma_semaphore, #tpu.memory_space<semaphore_mem>>)
    %add3A_384 = arith.constant 89600 : i32
    %add3A_385 = arith.addi %mul3A_283, %add3A_384 : i32
    %dma_start3A_386 = tpu.memref_slice %arg2[%add3A_385] : memref<3276800xi32, #tpu.memory_space<hbm>> -> memref<12800xi32, #tpu.memory_space<hbm>>
    %dma_start3A_387 = tpu.memref_slice %arg2[%add3A_385] : memref<3276800xi32, #tpu.memory_space<hbm>> -> memref<12800xi32, #tpu.memory_space<hbm>>
    tpu.enqueue_dma source(%dma_start3A_387 : memref<12800xi32, #tpu.memory_space<hbm>>) target(%arg7 : memref<12800xi32, #tpu.memory_space<vmem>>) target_semaphore(%arg13 : memref<!tpu.dma_semaphore, #tpu.memory_space<semaphore_mem>>)
    %dma_wait3A_388 = arith.constant 0 : i32
    %dma_wait3A_389 = tpu.memref_slice %arg5[%dma_wait3A_388] : memref<1000000xf32, #tpu.memory_space<vmem_shared>> -> memref<1000000xf32, #tpu.memory_space<vmem_shared>>
    tpu.wait_indirect_dma semaphore(%arg14 : memref<!tpu.dma_semaphore, #tpu.memory_space<semaphore_mem>>) src(%dma_wait3A_389 : memref<1000000xf32, #tpu.memory_space<vmem_shared>>) dst(%arg8 : memref<12800xf32, #tpu.memory_space<vmem>>)
    %add3A_390 = arith.constant 76800 : i32
    %add3A_391 = arith.addi %mul3A_283, %add3A_390 : i32
    %dma_start3A_392 = tpu.memref_slice %arg4[%add3A_391] : memref<3276800xf32, #tpu.memory_space<hbm>> -> memref<12800xf32, #tpu.memory_space<hbm>>
    %dma_start3A_393 = tpu.memref_slice %arg4[%add3A_391] : memref<3276800xf32, #tpu.memory_space<hbm>> -> memref<12800xf32, #tpu.memory_space<hbm>>
    tpu.enqueue_dma source(%arg8 : memref<12800xf32, #tpu.memory_space<vmem>>) target(%dma_start3A_393 : memref<12800xf32, #tpu.memory_space<hbm>>) target_semaphore(%arg16 : memref<!tpu.dma_semaphore, #tpu.memory_space<semaphore_mem>>)
    %dma_wait3A_394 = tpu.memref_slice %arg2[%add3A_385] : memref<3276800xi32, #tpu.memory_space<hbm>> -> memref<12800xi32, #tpu.memory_space<hbm>>
    %dma_wait3A_395 = tpu.memref_slice %arg2[%add3A_385] : memref<3276800xi32, #tpu.memory_space<hbm>> -> memref<12800xi32, #tpu.memory_space<hbm>>
    tpu.wait_dma2 semaphore(%arg13 : memref<!tpu.dma_semaphore, #tpu.memory_space<semaphore_mem>>) src(%dma_wait3A_395 : memref<12800xi32, #tpu.memory_space<hbm>>) dst(%arg7 : memref<12800xi32, #tpu.memory_space<vmem>>)
    %dma_wait3A_396 = tpu.memref_slice %arg4[%add3A_375] : memref<3276800xf32, #tpu.memory_space<hbm>> -> memref<12800xf32, #tpu.memory_space<hbm>>
    %dma_wait3A_397 = tpu.memref_slice %arg4[%add3A_375] : memref<3276800xf32, #tpu.memory_space<hbm>> -> memref<12800xf32, #tpu.memory_space<hbm>>
    tpu.wait_dma2 semaphore(%arg17 : memref<!tpu.dma_semaphore, #tpu.memory_space<semaphore_mem>>) src(%arg9 : memref<12800xf32, #tpu.memory_space<vmem>>) dst(%dma_wait3A_397 : memref<12800xf32, #tpu.memory_space<hbm>>)
    %dma_start3A_398 = arith.constant 0 : i32
    %dma_start3A_399 = tpu.memref_slice %arg5[%dma_start3A_398] : memref<1000000xf32, #tpu.memory_space<vmem_shared>> -> memref<1000000xf32, #tpu.memory_space<vmem_shared>>
    tpu.enqueue_indirect_dma source(%dma_start3A_399 : memref<1000000xf32, #tpu.memory_space<vmem_shared>>) target(%arg9 : memref<12800xf32, #tpu.memory_space<vmem>>) offsets(%arg7 : memref<12800xi32, #tpu.memory_space<vmem>>) semaphore(%arg15 : memref<!tpu.dma_semaphore, #tpu.memory_space<semaphore_mem>>)
    %dma_wait3A_400 = arith.constant 0 : i32
    %dma_wait3A_401 = tpu.memref_slice %arg5[%dma_wait3A_400] : memref<1000000xf32, #tpu.memory_space<vmem_shared>> -> memref<1000000xf32, #tpu.memory_space<vmem_shared>>
    tpu.wait_indirect_dma semaphore(%arg15 : memref<!tpu.dma_semaphore, #tpu.memory_space<semaphore_mem>>) src(%dma_wait3A_401 : memref<1000000xf32, #tpu.memory_space<vmem_shared>>) dst(%arg9 : memref<12800xf32, #tpu.memory_space<vmem>>)
    %add3A_402 = arith.constant 89600 : i32
    %add3A_403 = arith.addi %mul3A_283, %add3A_402 : i32
    %dma_start3A_404 = tpu.memref_slice %arg4[%add3A_403] : memref<3276800xf32, #tpu.memory_space<hbm>> -> memref<12800xf32, #tpu.memory_space<hbm>>
    %dma_start3A_405 = tpu.memref_slice %arg4[%add3A_403] : memref<3276800xf32, #tpu.memory_space<hbm>> -> memref<12800xf32, #tpu.memory_space<hbm>>
    tpu.enqueue_dma source(%arg9 : memref<12800xf32, #tpu.memory_space<vmem>>) target(%dma_start3A_405 : memref<12800xf32, #tpu.memory_space<hbm>>) target_semaphore(%arg17 : memref<!tpu.dma_semaphore, #tpu.memory_space<semaphore_mem>>)
    %dma_wait3A_406 = tpu.memref_slice %arg4[%add3A_391] : memref<3276800xf32, #tpu.memory_space<hbm>> -> memref<12800xf32, #tpu.memory_space<hbm>>
    %dma_wait3A_407 = tpu.memref_slice %arg4[%add3A_391] : memref<3276800xf32, #tpu.memory_space<hbm>> -> memref<12800xf32, #tpu.memory_space<hbm>>
    tpu.wait_dma2 semaphore(%arg16 : memref<!tpu.dma_semaphore, #tpu.memory_space<semaphore_mem>>) src(%arg8 : memref<12800xf32, #tpu.memory_space<vmem>>) dst(%dma_wait3A_407 : memref<12800xf32, #tpu.memory_space<hbm>>)
    %dma_wait3A_408 = tpu.memref_slice %arg4[%add3A_403] : memref<3276800xf32, #tpu.memory_space<hbm>> -> memref<12800xf32, #tpu.memory_space<hbm>>
    %dma_wait3A_409 = tpu.memref_slice %arg4[%add3A_403] : memref<3276800xf32, #tpu.memory_space<hbm>> -> memref<12800xf32, #tpu.memory_space<hbm>>
    tpu.wait_dma2 semaphore(%arg17 : memref<!tpu.dma_semaphore, #tpu.memory_space<semaphore_mem>>) src(%arg9 : memref<12800xf32, #tpu.memory_space<vmem>>) dst(%dma_wait3A_409 : memref<12800xf32, #tpu.memory_space<hbm>>)
    return
  }
}

module attributes {stable_mosaic.version = 14 : i64} {
  func.func @_finish_body(%arg0: i32, %arg1: memref<8x128xf32, #tpu.memory_space<vmem>>, %arg2: memref<26x16384xf32, #tpu.memory_space<vmem>>, %arg3: memref<26x16384xf32, #tpu.memory_space<vmem>>, %arg4: memref<26x16384xi32, #tpu.memory_space<vmem>>) attributes {dimension_semantics = [#tpu.dimension_semantics<arbitrary>], iteration_bounds = array<i64: 1>, scalar_prefetch = 0 : i64, scratch_operands = 0 : i64, tpu.core_type = #tpu.core_type<tc>, window_params = [{pipeline_mode = #tpu.pipeline_mode<synchronous>, transform_indices = @transform_0, window_bounds = array<i64: 8, 128>}, {pipeline_mode = #tpu.pipeline_mode<synchronous>, transform_indices = @transform_1, window_bounds = array<i64: 26, 16384>}, {pipeline_mode = #tpu.pipeline_mode<synchronous>, transform_indices = @transform_2, window_bounds = array<i64: 26, 16384>}, {pipeline_mode = #tpu.pipeline_mode<synchronous>, transform_indices = @transform_3, window_bounds = array<i64: 26, 16384>}]} {
    %get3A = arith.constant 0 : index
    %get3A_0 = arith.constant 0 : index
    %get3A_1 = vector.load %arg1[%get3A, %get3A_0] : memref<8x128xf32, #tpu.memory_space<vmem>>, vector<1x1xf32>
    %get3A_2 = vector.extract %get3A_1[0, 0] : f32 from vector<1x1xf32>
    %get3A_3 = arith.constant 0 : index
    %get3A_4 = arith.constant 1 : index
    %get3A_5 = vector.load %arg1[%get3A_3, %get3A_4] : memref<8x128xf32, #tpu.memory_space<vmem>>, vector<1x1xf32>
    %get3A_6 = vector.extract %get3A_5[0, 0] : f32 from vector<1x1xf32>
    %get3A_7 = arith.constant 0 : index
    %get3A_8 = arith.constant 0 : index
    %get3A_9 = vector.load %arg2[%get3A_7, %get3A_8] : memref<26x16384xf32, #tpu.memory_space<vmem>>, vector<26x16384xf32>
    %iota3A = tpu.iota {dimensions = array<i32: 0>} : vector<26x16384xi32>
    %eq3A = arith.constant 0 : i32
    %eq3A_10 = vector.broadcast %eq3A : i32 to vector<26x16384xi32>
    %eq3A_11 = arith.cmpi eq, %iota3A, %eq3A_10 : vector<26x16384xi32>
    %sub3A = vector.broadcast %get3A_2 : f32 to vector<26x16384xf32>
    %sub3A_12 = arith.subf %get3A_9, %sub3A : vector<26x16384xf32>
    %mul3A = vector.broadcast %get3A_6 : f32 to vector<26x16384xf32>
    %mul3A_13 = arith.mulf %sub3A_12, %mul3A : vector<26x16384xf32>
    %select_n3A = arith.select %eq3A_11, %mul3A_13, %get3A_9 : vector<26x16384xi1>, vector<26x16384xf32>
    %ne3A = arith.cmpf one, %select_n3A, %select_n3A : vector<26x16384xf32>
    %jit3A = arith.constant 0.000000e+00 : f32
    %broadcast_in_dim3A = vector.broadcast %jit3A : f32 to vector<26x16384xf32>
    %select_n3A_14 = arith.select %ne3A, %broadcast_in_dim3A, %select_n3A : vector<26x16384xi1>, vector<26x16384xf32>
    %swap3A = arith.constant 0 : index
    %swap3A_15 = arith.constant 0 : index
    %swap3A_16 = vector.load %arg3[%swap3A, %swap3A_15] : memref<26x16384xf32, #tpu.memory_space<vmem>>, vector<26x16384xf32>
    tpu.vector_store %arg3[%swap3A, %swap3A_15], %select_n3A_14 {strides = array<i32>} : memref<26x16384xf32, #tpu.memory_space<vmem>>, vector<26x16384xf32>,
    %not3A = arith.constant dense<true> : vector<26x16384xi1>
    %not3A_17 = arith.xori %ne3A, %not3A : vector<26x16384xi1>
    %swap3A_18 = arith.constant 0 : index
    %swap3A_19 = arith.constant 0 : index
    %swap3A_20 = vector.load %arg4[%swap3A_18, %swap3A_19] : memref<26x16384xi32, #tpu.memory_space<vmem>>, vector<26x16384xi32>
    %swap3A_21 = arith.extui %not3A_17 : vector<26x16384xi1> to vector<26x16384xi32>
    %swap3A_22 = arith.constant dense<0> : vector<26x16384xi32>
    %swap3A_23 = arith.cmpi ne, %swap3A_20, %swap3A_22 : vector<26x16384xi32>
    tpu.vector_store %arg4[%swap3A_18, %swap3A_19], %swap3A_21 {strides = array<i32>} : memref<26x16384xi32, #tpu.memory_space<vmem>>, vector<26x16384xi32>,
    return
  }
  func.func @transform_0(%arg0: i32) -> (i32, i32) {
    %c0_i32 = arith.constant 0 : i32
    %c0_i32_0 = arith.constant 0 : i32
    %c0_i32_1 = arith.constant 0 : i32
    return %c0_i32, %c0_i32_0 : i32, i32
  }
  func.func @transform_1(%arg0: i32) -> (i32, i32) {
    %c0_i32 = arith.constant 0 : i32
    %c0_i32_0 = arith.constant 0 : i32
    %c0_i32_1 = arith.constant 0 : i32
    return %c0_i32, %c0_i32_0 : i32, i32
  }
  func.func @transform_2(%arg0: i32) -> (i32, i32) {
    %c0_i32 = arith.constant 0 : i32
    %c0_i32_0 = arith.constant 0 : i32
    %c0_i32_1 = arith.constant 0 : i32
    return %c0_i32, %c0_i32_0 : i32, i32
  }
  func.func @transform_3(%arg0: i32) -> (i32, i32) {
    %c0_i32 = arith.constant 0 : i32
    %c0_i32_0 = arith.constant 0 : i32
    %c0_i32_1 = arith.constant 0 : i32
    return %c0_i32, %c0_i32_0 : i32, i32
  }
}

module attributes {stable_mosaic.version = 14 : i64} {
  func.func @_stats_body(%arg0: i32, %arg1: memref<26x16384xf32, #tpu.memory_space<vmem>>, %arg2: memref<8x128xf32, #tpu.memory_space<vmem>>) attributes {dimension_semantics = [#tpu.dimension_semantics<arbitrary>], iteration_bounds = array<i64: 1>, scalar_prefetch = 0 : i64, scratch_operands = 0 : i64, tpu.core_type = #tpu.core_type<tc>, window_params = [{pipeline_mode = #tpu.pipeline_mode<synchronous>, transform_indices = @transform_0, window_bounds = array<i64: 26, 16384>}, {pipeline_mode = #tpu.pipeline_mode<synchronous>, transform_indices = @transform_1, window_bounds = array<i64: 8, 128>}]} {
    %get3A = arith.constant 0 : index
    %get3A_0 = arith.constant 0 : index
    %get3A_1 = vector.load %arg1[%get3A, %get3A_0] : memref<26x16384xf32, #tpu.memory_space<vmem>>, vector<1x16384xf32>
    %reduce_sum3A = vector.shape_cast %get3A_1 : vector<1x16384xf32> to vector<1x1x16384xf32>
    %reduce_sum3A_2 = arith.constant dense<0.000000e+00> : vector<1xf32>
    %reduce_sum3A_3 = vector.multi_reduction <add>, %reduce_sum3A, %reduce_sum3A_2 [1, 2] : vector<1x1x16384xf32> to vector<1xf32>
    %reduce_sum3A_4 = vector.shape_cast %reduce_sum3A_3 : vector<1xf32> to vector<1x1x1xf32>
    %reduce_sum3A_5 = vector.extract %reduce_sum3A_4[0, 0, 0] : f32 from vector<1x1x1xf32>
    %mul3A = arith.mulf %get3A_1, %get3A_1 : vector<1x16384xf32>
    %reduce_sum3A_6 = vector.shape_cast %mul3A : vector<1x16384xf32> to vector<1x1x16384xf32>
    %reduce_sum3A_7 = arith.constant dense<0.000000e+00> : vector<1xf32>
    %reduce_sum3A_8 = vector.multi_reduction <add>, %reduce_sum3A_6, %reduce_sum3A_7 [1, 2] : vector<1x1x16384xf32> to vector<1xf32>
    %reduce_sum3A_9 = vector.shape_cast %reduce_sum3A_8 : vector<1xf32> to vector<1x1x1xf32>
    %reduce_sum3A_10 = vector.extract %reduce_sum3A_9[0, 0, 0] : f32 from vector<1x1x1xf32>
    %div3A = arith.constant 1.638400e+04 : f32
    %div3A_11 = arith.divf %reduce_sum3A_5, %div3A : f32
    %mul3A_12 = arith.mulf %reduce_sum3A_5, %reduce_sum3A_5 : f32
    %div3A_13 = arith.constant 1.638400e+04 : f32
    %div3A_14 = arith.divf %mul3A_12, %div3A_13 : f32
    %sub3A = arith.subf %reduce_sum3A_10, %div3A_14 : f32
    %div3A_15 = arith.constant 1.638300e+04 : f32
    %div3A_16 = arith.divf %sub3A, %div3A_15 : f32
    %rsqrt3A = math.rsqrt %div3A_16 : f32
    %iota3A = tpu.iota {dimensions = array<i32: 0>} : vector<8x128xi32>
    %iota3A_17 = tpu.iota {dimensions = array<i32: 1>} : vector<8x128xi32>
    %eq3A = arith.constant 0 : i32
    %eq3A_18 = vector.broadcast %eq3A : i32 to vector<8x128xi32>
    %eq3A_19 = arith.cmpi eq, %iota3A, %eq3A_18 : vector<8x128xi32>
    %eq3A_20 = arith.constant 0 : i32
    %eq3A_21 = vector.broadcast %eq3A_20 : i32 to vector<8x128xi32>
    %eq3A_22 = arith.cmpi eq, %iota3A_17, %eq3A_21 : vector<8x128xi32>
    %and3A = arith.andi %eq3A_19, %eq3A_22 : vector<8x128xi1>
    %eq3A_23 = arith.constant 0 : i32
    %eq3A_24 = vector.broadcast %eq3A_23 : i32 to vector<8x128xi32>
    %eq3A_25 = arith.cmpi eq, %iota3A, %eq3A_24 : vector<8x128xi32>
    %eq3A_26 = arith.constant 1 : i32
    %eq3A_27 = vector.broadcast %eq3A_26 : i32 to vector<8x128xi32>
    %eq3A_28 = arith.cmpi eq, %iota3A_17, %eq3A_27 : vector<8x128xi32>
    %and3A_29 = arith.andi %eq3A_25, %eq3A_28 : vector<8x128xi1>
    %jit3A = arith.constant 0.000000e+00 : f32
    %broadcast_in_dim3A = vector.broadcast %rsqrt3A : f32 to vector<8x128xf32>
    %broadcast_in_dim3A_30 = vector.broadcast %jit3A : f32 to vector<8x128xf32>
    %select_n3A = arith.select %and3A_29, %broadcast_in_dim3A, %broadcast_in_dim3A_30 : vector<8x128xi1>, vector<8x128xf32>
    %broadcast_in_dim3A_31 = vector.broadcast %div3A_11 : f32 to vector<8x128xf32>
    %select_n3A_32 = arith.select %and3A, %broadcast_in_dim3A_31, %select_n3A : vector<8x128xi1>, vector<8x128xf32>
    %swap3A = arith.constant 0 : index
    %swap3A_33 = arith.constant 0 : index
    %swap3A_34 = vector.load %arg2[%swap3A, %swap3A_33] : memref<8x128xf32, #tpu.memory_space<vmem>>, vector<8x128xf32>
    tpu.vector_store %arg2[%swap3A, %swap3A_33], %select_n3A_32 {strides = array<i32>} : memref<8x128xf32, #tpu.memory_space<vmem>>, vector<8x128xf32>,
    return
  }
  func.func @transform_0(%arg0: i32) -> (i32, i32) {
    %c0_i32 = arith.constant 0 : i32
    %c0_i32_0 = arith.constant 0 : i32
    %c0_i32_1 = arith.constant 0 : i32
    return %c0_i32, %c0_i32_0 : i32, i32
  }
  func.func @transform_1(%arg0: i32) -> (i32, i32) {
    %c0_i32 = arith.constant 0 : i32
    %c0_i32_0 = arith.constant 0 : i32
    %c0_i32_1 = arith.constant 0 : i32
    return %c0_i32, %c0_i32_0 : i32, i32
  }
}

</mosaic_0001>

<sc_bundles>
// kernel: kernel.5.cloned.1.call-start
scs
__scs_entry_jumppad:
0x0: {  	(pc) =	sbr.rel $0x88, $3  }
0x1: {  	(tag) =	ssettag $0x0;
	lr =	simm.s32 $0x1  }
0x2: {  	[smem:$0x3F9E] =	sst lr;
	_ =	strace $0xD0000000  }
0x3: {  	_ = 	snop  }
0x4: {  	_ = 	snop  }
0x5: {  	_ = 	snop  }
0x6: {  	_ = 	snop  }
0x7: {  	_ = 	snop  }
__scs_overlays_trampoline_lowered:
0x8: {  	[smem:$0x3FAD] =	sst s0  }
0x9: {  	[smem:$0x3FAE] =	sst s1  }
0xa: {  	[smem:$0x3FAF] =	sst s2  }
0xb: {  	[smem:$0x3FB0] =	sst s3  }
0xc: {  	[smem:$0x3FB1] =	sst s4  }
0xd: {  	[smem:$0x3FB2] =	sst s5  }
0xe: {  	[smem:$0x3FB3] =	sst s6  }
0xf: {  	[smem:$0x3FB4] =	sst s7  }
0x10: {  	[smem:$0x3FB5] =	sst s8  }
0x11: {  	[smem:$0x3FB6] =	sst s9;
	s0 =	simm.s32 @!p0 $0x0  }
0x12: {  	s1 =	sld [smem:$0x3F9C];
	s0 =	simm.s32 @p0 $0x1  }
0x13: {  	[smem:$0x3FB7] =	sst s0;
	s0 =	simm.s32 @!p1 $0x0  }
0x14: {  	s2 =	sld [smem:$0x3F9B];
	s0 =	simm.s32 @p1 $0x1  }
0x15: {  	[smem:$0x3FB8] =	sst s0;
	s0 =	simm.s32 @!p2 $0x0  }
0x16: {  	s3 =	sld [smem:$0x3FDB];
	s0 =	simm.s32 @p2 $0x1  }
0x17: {  	s4 =	simm.s32 $0x1BF5;
	[smem:$0x3FBA] =	sst s0  }
0x18: {  	s0 =	sld [smem:$0x3F9D];
	_ =	swait.ge [sflag:s4], $0x0  }
0x19: {  	s7 =	sld [smem:$0x3F9E]  }
0x1a: {  	s8 =	sadd.s32 $0xFFFFE003, lr  }
0x1b: {  	s9 =	sadd.s32 $0xFFFFFEF7, lr;
	s5 =	simm.s32 $0xFFFFFFFF;
	p2 =	slt.u32 s8, $0xFFFFF086  }
0x1c: {  	p1 =	slt.u32 s9, $0xF7A;
	s5 =	simm.s32 @!p2 $0x0  }
0x1d: {  	s5 =	simm.s32 @p1 $0x1;
	p0 =	seq.s32 s7, s2  }
0x1e: {  	s7 =	smul.u32 @!p0 $0xF7A, s2;
	p2 =	seq.s32 @!p0 s5, $0x0  }
0x1f: {  	s9 =	smul.u32 $0xF7A, s1;
	s8 =	simm.s32 @!p0 $0x1BF5;
	p2 =	por !p2, p0  }
0x20: {  	[sflag:s8] =	ssyncset.s32 @!p0 $0xFFFFF086;
	s6 =	sadd.s32 @!p0 s3, s7;
	s7 =	simm.s32 @!p0 $0x108  }
0x21: {  	s3 =	sadd.s32 s3, s9;
	s6 =	sadd.s32 @!p0 $0x88, s6;
	s7 =	simm.s32 @p2 $0x1082  }
0x22: {  	[simem:s7], [sflag:s8] =	dma.local @!p0 [hbm:s6], $0xF7A  }
0x23: {  	s9 =	sor.u32 $0xD0000000, s2;
	s6 =	simm.s32 $0x108;
	_ =	swait.ge @!p0 [sflag:s8], $0x0  }
0x24: {  	s3 =	sadd.s32 $0x88, s3;
	s6 =	simm.s32 @!p1 $0x1082;
	[sflag:s4] =	ssyncset.s32 $0xFFFFF086  }
0x25: {  	[simem:s6], [sflag:s4] =	dma.local [hbm:s3], $0xF7A  }
0x26: {  	[smem:$0x3F9E] =	sst s1;
	(tag) =	ssettag s2;
	_ =	strace s9  }
0x27: {  	s1 =	sld [smem:$0x3FAE]  }
0x28: {  	s2 =	sld [smem:$0x3FAF]  }
0x29: {  	s4 =	sld [smem:$0x3FB1]  }
0x2a: {  	p0 =	seq.s32 s5, $0x0;
	s5 =	sld [smem:$0x3FB2]  }
0x2b: {  	s6 =	sld [smem:$0x3FB3]  }
0x2c: {  	s7 =	sld [smem:$0x3FB4]  }
0x2d: {  	s3 =	simm.s32 $0x108;
	s8 =	sld [smem:$0x3FB5]  }
0x2e: {  	s3 =	simm.s32 @!p0 $0x1082;
	s9 =	sld [smem:$0x3FB6]  }
0x2f: {  	lr =	sadd.s32 s0, s3;
	s0 =	sld [smem:$0x3FAD]  }
0x30: {  	s3 =	sld [smem:$0x3FB0]  }
0x31: {  	[smem:$0x3FB9] =	sst s10  }
0x32: {  	s10 =	sld [smem:$0x3FB7];
	_ =	sdelay $0x3  }
0x33: {  	p0 =	seq.s32 s10, $0x1;
	s10 =	sld [smem:$0x3FB9];
	_ =	sdelay $0x3  }
0x34: {  	[smem:$0x3FB9] =	sst s10  }
0x35: {  	s10 =	sld [smem:$0x3FB8];
	_ =	sdelay $0x3  }
0x36: {  	p1 =	seq.s32 s10, $0x1;
	s10 =	sld [smem:$0x3FB9];
	_ =	sdelay $0x3  }
0x37: {  	[smem:$0x3FB9] =	sst s10  }
0x38: {  	s10 =	sld [smem:$0x3FBA]  }
0x39: {  	_ = 	snop;
	(pc) =	sbr.ind lr, $3  }
0x3a: {  	_ = 	snop  }
0x3b: {  	_ = 	snop  }
0x3c: {  	p2 =	seq.s32 s10, $0x1;
	s10 =	sld [smem:$0x3FB9]  }
0x3d: {  	_ =	shalt  }
0x3e: {  	_ =	shalt  }
0x3f: {  	_ =	shalt  }
0x40: {  	_ =	shalt  }
0x41: {  	_ =	shalt  }
0x42: {  	_ =	shalt  }
0x43: {  	_ =	shalt  }
0x44: {  	_ =	shalt  }
0x45: {  	_ =	shalt  }
0x46: {  	_ =	shalt  }
0x47: {  	_ =	shalt  }
0x48: {  	_ =	shalt  }
0x49: {  	_ =	shalt  }
0x4a: {  	_ =	shalt  }
0x4b: {  	_ =	shalt  }
0x4c: {  	_ =	shalt  }
0x4d: {  	_ =	shalt  }
0x4e: {  	_ =	shalt  }
0x4f: {  	_ =	shalt  }
0x50: {  	_ =	shalt  }
0x51: {  	_ =	shalt  }
0x52: {  	_ =	shalt  }
0x53: {  	_ =	shalt  }
0x54: {  	_ =	shalt  }
0x55: {  	_ =	shalt  }
0x56: {  	_ =	shalt  }
0x57: {  	_ =	shalt  }
0x58: {  	_ =	shalt  }
0x59: {  	_ =	shalt  }
0x5a: {  	_ =	shalt  }
0x5b: {  	_ =	shalt  }
0x5c: {  	_ =	shalt  }
0x5d: {  	_ =	shalt  }
0x5e: {  	_ =	shalt  }
0x5f: {  	_ =	shalt  }
0x60: {  	_ =	shalt  }
0x61: {  	_ =	shalt  }
0x62: {  	_ =	shalt  }
0x63: {  	_ =	shalt  }
0x64: {  	_ =	shalt  }
0x65: {  	_ =	shalt  }
0x66: {  	_ =	shalt  }
0x67: {  	_ =	shalt  }
0x68: {  	_ =	shalt  }
0x69: {  	_ =	shalt  }
0x6a: {  	_ =	shalt  }
0x6b: {  	_ =	shalt  }
0x6c: {  	_ =	shalt  }
0x6d: {  	_ =	shalt  }
0x6e: {  	_ =	shalt  }
0x6f: {  	_ =	shalt  }
0x70: {  	_ =	shalt  }
0x71: {  	_ =	shalt  }
0x72: {  	_ =	shalt  }
0x73: {  	_ =	shalt  }
0x74: {  	_ =	shalt  }
0x75: {  	_ =	shalt  }
0x76: {  	_ =	shalt  }
0x77: {  	_ =	shalt  }
0x78: {  	_ =	shalt  }
0x79: {  	_ =	shalt  }
0x7a: {  	_ =	shalt  }
0x7b: {  	_ =	shalt  }
0x7c: {  	_ =	shalt  }
0x7d: {  	_ =	shalt  }
0x7e: {  	_ =	shalt  }
0x7f: {  	_ =	shalt  }
0x80: {  	_ =	shalt  }
0x81: {  	_ =	shalt  }
0x82: {  	_ =	shalt  }
0x83: {  	_ =	shalt  }
0x84: {  	_ =	shalt  }
0x85: {  	_ =	shalt  }
0x86: {  	_ =	shalt  }
0x87: {  	_ =	shalt  }
.Lfunc_end0:
.L_simem_size_0:
called_computation_lowered:
.L_overlay_start_0:
0x88: {  	s2 =	sld [smem:$0x3FD9]  }
0x89: {  	s3 =	sld [smem:$0x3FFE];
	_ =	sdelay $0x1  }
0x8a: {  	s1 =	srdreg.scid  }
0x8b: {  	s0 =	sand.u32 $0x1, s1  }
0x8c: {  	s14 =	sshll.u32 s0, $0xA;
	s2 =	sadd.s32 s3, s2  }
0x8d: {  	s2 =	sadd.s32 s2, s14  }
0x8e: {  	[smem:$0x3FC5] =	sst s2  }
0x8f: {  	_ = 	snop  }
0x90: {  	s2 =	sld [smem:$0x3FD0];
	_ =	sdelay $0x2  }
0x91: {  	s15 =	simm.s32 $0xA;
	s4 =	simm.s32 $0x10  }
0x92: {  	[smem:s4], [sflag:s15] =	dma.local [hbm:s2], $0x1  }
0x93: {  	_ =	swait.eq [sflag:s15], $0x1  }
0x94: {  	[sflag:s15] =	ssyncset.done $0x0  }
0x95: {  	[sflag:s15] =	ssyncadd.s32 $0xFFFFFFFF  }
0x96: {  	s16 =	sld [smem:$0x10];
	(tm) =	ssettm $0x1  }
0x97: {  	s17 =	sld [smem:$0x3FFB];
	_ =	sdelay $0x3  }
0x98: {  	_ =	strace s17  }
0x99: {  	s3 =	sld [smem:$0x3FFC];
	_ =	sdelay $0x3  }
0x9a: {  	_ =	strace s3  }
0x9b: {  	s3 =	sld [smem:$0x3FFD];
	_ =	sdelay $0x3  }
0x9c: {  	_ =	strace s3  }
0x9d: {  	_ =	strace $0x8FFFFFFF  }
0x9e: {  	s18 =	sld [smem:$0x3FDB];
	_ =	sdelay $0x1  }
0x9f: {  	s19 =	simm.s32 $_scs_section_size  }
0xa0: {  	s5 =	simm.s32 $_size__tile_overlayer_lowered;
	s6 =	simm.s32 $_tile_overlayer_lowered  }
0xa1: {  	s22 =	simm.s32 $0x1BFF;
	s21 =	sshll.u32 s6, $0x1;
	s3 =	sadd.s32 s19, s18  }
0xa2: {  	s7 =	simm.s32 $0x0;
	s20 =	sshll.u32 s5, $0x1;
	s5 =	sadd.s32 s21, s3  }
0xa3: {  	[timem:s7], [sflag:s22] =	dma.local [hbm:s5], s20  }
0xa4: {  	_ =	swait.ge [sflag:s22], s20  }
0xa5: {  	s4 =	ssub.s32 $0x0, s20;
	[sflag:s22] =	ssyncset.done $0x0  }
0xa6: {  	[sflag:s22] =	ssyncadd.s32 s4;
	_ =	sdelay $0x1  }
0xa7: {  	s23 =	simm.s32 $0x1B8B  }
0xa8: {  	_ =	swait.ge [sflag:s23], $0x1  }
0xa9: {  	[sflag:s23] =	ssyncset.done $0x0  }
0xaa: {  	s25 =	simm.s32 $0x1B8E;
	s24 =	sld [smem:$0x3FFE];
	[sflag:s23] =	ssyncadd.s32 $0xFFFFFFFF  }
0xab: {  	s26 =	simm.s32 $execute0_lowered;
	[smem:$0x3FD2] =	sst s25  }
0xac: {  	s5 =	sshll.u32 s26, $0x1;
	_ =	strace $0x80000046;
	[dreg:$0x1] =	wrdreg $0xFFFFFFFF  }
0xad: {  	s28 =	simm.s32 $_size_execute0_lowered;
	s3 =	sadd.s32 s3, s5;
	[dreg:$0x0] =	wrdreg $0x0  }
0xae: {  	s5 =	sshll.u32 s28, $0x1;
	[dreg:$0x2] =	wrdreg s3  }
0xaf: {  	[dreg:$0x3] =	wrdreg s5  }
0xb0: {  	[dreg:$0x4] =	wrdreg $0xC0  }
0xb1: {  	_ =	task [dreg:s7], $0x5FFFF  }
0xb2: {  	[dreg:$0x1] =	wrdreg $0xFFFFFFFF  }
0xb3: {  	[dreg:$0x0] =	wrdreg $0x60  }
0xb4: {  	[dreg:$0x2] =	wrdreg s16  }
0xb5: {  	[dreg:$0x3] =	wrdreg s24  }
0xb6: {  	[dreg:$0x4] =	wrdreg $0x0  }
0xb7: {  	[dreg:$0x5] =	wrdreg $0x9  }
0xb8: {  	_ =	task.clear_ibuf [dreg:s7], $0x6FFFF;
	_ =	strace $0x90000046  }
0xb9: {  	s29 =	simm.s32 $0x9;
	_ =	strace $0x80000048  }
0xba: {  	_ =	swait.ge [sflag:s29], $0x1  }
0xbb: {  	[sflag:s29] =	ssyncadd.s32 $0xFFFFFFFF  }
0xbc: {  	_ =	strace $0x90000048  }
0xbd: {  	_ =	sfence  }
0xbe: {  	s30 =	sld [smem:$0x0];
	_ =	sdelay $0x2  }
0xbf: {  	s31 =	sshll.u32 s1, $0xD;
	s1 =	sshrl.u32 s1, $0x2  }
0xc0: {  	s3 =	sand.u32 $0x4000, s31;
	s1 =	sadd.s32 s1, s30  }
0xc1: {  	s0 =	sor.u32 s3, s0;
	s1 =	sshll.u32 s1, $0x11  }
0xc2: {  	s0 =	sor.u32 s1, s0  }
0xc3: {  	s0 =	sadd.s32 $0x8F2B, s0  }
0xc4: {  	[sflag:s0] =	ssyncadd.remote.s32 $0x1  }
0xc5: {  	_ =	sfence.sel $0xFFFF  }
0xc6: {  	[dreg:$0x0] =	wrdreg $0xFFFFFFFF;
	(pc) =	sbr.abs _section_cstart, $3  }
0xc7: {  	[dreg:$0x1] =	wrdreg $0xFFFFFFFF  }
0xc8: {  	_ =	task.clear_ibuf [dreg:s7], $0x2FFFF;
	_ =	strace $0x9FFFFFFF  }
0xc9: {  	(tm) =	ssettm $0x7FFFFFFF  }
tec
execute0_lowered:
.L_overlay_start_1:
0x0: {  	(tag) =	ssettag $0x1  }
0x1: {  	s0 =	rddreg [dreg:$0x0]  }
0x2: {  	s4 =	rddreg [dreg:$0x1]  }
0x3: {  	s3 =	rddreg [dreg:$0x2];
	s2 =	simm.s32 $0x0;
	s7 =	stileid.u32  }
0x4: {  	s5 =	srdreg.scid;
	s30 =	simm.s32 $0x1BC28;
	s31 =	simm.s32 $0x7  }
0x5: {  	s28 =	simm.s32 $0x1D528;
	s29 =	simm.s32 $0x8;
	p0 =	por $0x0, $0x0  }
0x6: {  	[smem:$0x7FF] =	sst s2;
	s1 =	smul.u32 $0xF440, s7;
	s6 =	sadd.s32 $0x600, s4  }
0x7: {  	s5 =	sand.u32 $0x1, s5;
	s7 =	sshll.u32 s7, $0x1;
	s4 =	sadd.s32 $0x1F000, s4  }
0x8: {  	_ =	strace $0x80000047;
	s7 =	sor.u32 s5, s7;
	s1 =	smin.u32 s1, $0xE4E00  }
0x9: {  	s5 =	ssub.s32 $0x2, s5;
	s7 =	smul.u32 $0x19000, s7;
	s8 =	sshrl.u32 s1, $0x3  }
0xa: {  	s9 =	sadd.s32 $0x1900, s1;
	s21 =	sadd.s32 $0x3200, s1;
	s22 =	sadd.s32 s1, s3  }
0xb: {  	s24 =	sadd.s32 $0x4B00, s1;
	s12 =	sadd.s32 $0x6400, s1;
	s16 =	sadd.s32 $0x7D00, s1  }
0xc: {  	s8 =	sadd.s32 s6, s8;
	s10 =	sshrl.u32 s9, $0x3;
	[dreg:$0x6] =	wrdreg s22  }
0xd: {  	s11 =	sshrl.u32 s21, $0x3;
	s25 =	sadd.s32 s9, s3;
	[dreg:$0x4] =	wrdreg s8  }
0xe: {  	s26 =	sshrl.u32 s24, $0x3;
	s13 =	sadd.s32 s21, s3;
	[dreg:$0x8] =	wrdreg s25  }
0xf: {  	s14 =	sshrl.u32 s12, $0x3;
	s17 =	sadd.s32 s24, s3;
	[dreg:$0xa] =	wrdreg s13  }
0x10: {  	s18 =	sshrl.u32 s16, $0x3;
	s21 =	sadd.s32 s12, s3;
	[dreg:$0xc] =	wrdreg s17  }
0x11: {  	s24 =	sadd.s32 $0xAF00, s1;
	s20 =	sadd.s32 s6, s10;
	[dreg:$0xe] =	wrdreg s21  }
0x12: {  	s23 =	sadd.s32 s6, s11;
	s9 =	sadd.s32 s6, s26;
	[dreg:$0x5] =	wrdreg s20  }
0x13: {  	s15 =	sadd.s32 s6, s14;
	s19 =	sadd.s32 s6, s18;
	[dreg:$0x7] =	wrdreg s23  }
0x14: {  	s25 =	sadd.s32 s16, s3;
	s26 =	sshrl.u32 s24, $0x3;
	[dreg:$0x9] =	wrdreg s9  }
0x15: {  	s13 =	sadd.s32 $0xC800, s1;
	s17 =	sadd.s32 s24, s3;
	[dreg:$0xb] =	wrdreg s15  }
0x16: {  	s11 =	sshrl.u32 s5, $0x1;
	s8 =	simm.s32 $0x6;
	[dreg:$0xd] =	wrdreg s19  }
0x17: {  	s20 =	sadd.s32 $0x9600, s1;
	[dreg:$0x10] =	wrdreg s25;
	s12 =	sadd.s32 s6, s26  }
0x18: {  	s15 =	sshrl.u32 s13, $0x3;
	s1 =	sadd.s32 $0xE100, s1;
	[dreg:$0x14] =	wrdreg s17  }
0x19: {  	s19 =	sadd.s32 s13, s3;
	s22 =	sshrl.u32 s20, $0x3;
	[dreg:$0x11] =	wrdreg s12  }
0x1a: {  	s14 =	sadd.s32 s20, s3;
	s16 =	sadd.s32 s6, s15;
	[dreg:$0x16] =	wrdreg s19  }
0x1b: {  	s18 =	sshrl.u32 s1, $0x3;
	s1 =	sadd.s32 s1, s3;
	[dreg:$0x12] =	wrdreg s14  }
0x1c: {  	s20 =	sshrl.u32 s7, $0x3;
	s23 =	sadd.s32 s6, s22;
	[dreg:$0x13] =	wrdreg s16  }
0x1d: {  	s6 =	sadd.s32 s6, s18;
	[dreg:$0x17] =	wrdreg s1;
	s22 =	sadd.s32 s0, s20  }
0x1e: {  	s7 =	sadd.s32 $0x640, s20;
	s24 =	sadd.s32 s4, s20;
	s1 =	rddreg [dreg:$0x4]  }
0x1f: {  	s25 =	sadd.s32 $0xC80, s20;
	s10 =	sadd.s32 $0x12C0, s20;
	[dreg:$0xf] =	wrdreg s23  }
0x20: {  	s13 =	sadd.s32 $0x1900, s20;
	s14 =	sadd.s32 $0x1F40, s20;
	[dreg:$0x15] =	wrdreg s6  }
0x21: {  	s16 =	sadd.s32 $0x2580, s20;
	s17 =	sadd.s32 $0x2BC0, s20;
	[dreg:$0x18] =	wrdreg s22  }
0x22: {  	s20 =	simm.s32 $0x1;
	s23 =	sadd.s32 s0, s7;
	[dreg:$0x1a] =	wrdreg s24  }
0x23: {  	s26 =	sadd.s32 s0, s25;
	s9 =	sadd.s32 s4, s7;
	s12 =	sadd.s32 s0, s10  }
0x24: {  	s24 =	sadd.s32 s4, s25;
	s22 =	sadd.s32 s4, s10;
	s21 =	sadd.s32 s0, s14  }
0x25: {  	s18 =	sadd.s32 s4, s13;
	s15 =	sadd.s32 s0, s16;
	s6 =	sadd.s32 s0, s17  }
0x26: {  	s25 =	simm.s32 $0xA;
	[dreg:$0x1c] =	wrdreg s9;
	s9 =	ssub.s32 s5, s11  }
0x27: {  	s7 =	simm.s32 $0x3200;
	[dreg:$0x19] =	wrdreg s23;
	s19 =	smax.u32 s9, $0x1  }
0x28: {  	s10 =	simm.s32 $0x5;
	[dreg:$0x1b] =	wrdreg s26;
	p1 =	sne.s32 s19, $0x1  }
.Ltmp0:
0x29: {  	[dreg:$0x1d] =	wrdreg s12;
	s23 =	sadd.s32 s0, s13;
	(pc) =	sbr.rel @!p1 .LBB2_3-.Ltmp0, $4  }
0x2a: {  	s12 =	sadd.s32 s4, s14;
	s5 =	sadd.s32 s4, s16;
	s4 =	sadd.s32 s4, s17  }
0x2b: {  	s26 =	simm.s32 $0x9;
	s16 =	simm.s32 $0xF428;
	s14 =	simm.s32 $0x15828  }
0x2c: {  	s17 =	simm.s32 $0x2;
	s11 =	simm.s32 $0x18A28;
	s13 =	simm.s32 $0x4  }
0x2d: {  	s9 =	simm.s32 $0x12628;
	s0 =	sadd.s32 $0xFFFFFFFF, s19;
	s19 =	simm.s32 $0x3  }
0x2e: {  	[tilespmem:s30], [sflag:$0x7] =	stream.linear.gather [hbm4b:s1+s2], $0x1900, $0x38;
	[tilespmem:$0x1EE28] =	vst v63  }
0x2f: {  	_ =	swait.ge [sflag:s31], $0x1900  }
0x30: {  	[dreg:$0x1e] =	wrdreg s0;
	[sflag:s31] =	ssyncset.done $0x0  }
0x31: {  	s1 =	rddreg [dreg:$0x5];
	[sflag:s31] =	ssyncadd.s32 $0xFFFFE700  }
0x32: {  	[tilespmem:s28], [sflag:$0x8] =	stream.linear.gather [hbm4b:s1+s2], $0x1900, $0x38;
	[tilespmem:$0x1EE28] =	vst v63  }
0x33: {  	s0 =	rddreg [dreg:$0x6]  }
0x34: {  	[spmem:s0] =	stream.linear.scatter [tilespmem:s30], [sflag:$0x9], $0x1900, $0x38;
	[tilespmem:$0x1EE28] =	vst v63  }
0x35: {  	_ =	swait.ge [sflag:s29], $0x1900  }
0x36: {  	[sflag:s29] =	ssyncset.done $0x0  }
0x37: {  	[sflag:s29] =	ssyncadd.s32 $0xFFFFE700  }
0x38: {  	_ =	swait.ge [sflag:s26], $0x1900  }
0x39: {  	[sflag:s26] =	ssyncset.done $0x0  }
0x3a: {  	s0 =	rddreg [dreg:$0x7];
	[sflag:s26] =	ssyncadd.s32 $0xFFFFE700  }
0x3b: {  	[tilespmem:s30], [sflag:$0x7] =	stream.linear.gather [hbm4b:s0+s2], $0x1900, $0x38;
	[tilespmem:$0x1EE28] =	vst v63  }
0x3c: {  	s1 =	rddreg [dreg:$0x8]  }
0x3d: {  	[spmem:s1] =	stream.linear.scatter [tilespmem:s28], [sflag:$0xA], $0x1900, $0x38;
	[tilespmem:$0x1EE28] =	vst v63  }
0x3e: {  	_ =	swait.ge [sflag:s31], $0x1900  }
0x3f: {  	[sflag:s31] =	ssyncset.done $0x0  }
0x40: {  	[sflag:s31] =	ssyncadd.s32 $0xFFFFE700  }
0x41: {  	_ =	swait.ge [sflag:s25], $0x1900  }
0x42: {  	[sflag:s25] =	ssyncset.done $0x0  }
0x43: {  	s0 =	rddreg [dreg:$0x9];
	[sflag:s25] =	ssyncadd.s32 $0xFFFFE700  }
0x44: {  	[tilespmem:s28], [sflag:$0x8] =	stream.linear.gather [hbm4b:s0+s2], $0x1900, $0x38;
	[tilespmem:$0x1EE28] =	vst v63  }
0x45: {  	s1 =	rddreg [dreg:$0xa]  }
0x46: {  	[spmem:s1] =	stream.linear.scatter [tilespmem:s30], [sflag:$0x9], $0x1900, $0x38;
	[tilespmem:$0x1EE28] =	vst v63  }
0x47: {  	_ =	swait.ge [sflag:s29], $0x1900  }
0x48: {  	[sflag:s29] =	ssyncset.done $0x0  }
0x49: {  	[sflag:s29] =	ssyncadd.s32 $0xFFFFE700  }
0x4a: {  	_ =	swait.ge [sflag:s26], $0x1900  }
0x4b: {  	[sflag:s26] =	ssyncset.done $0x0  }
0x4c: {  	s0 =	rddreg [dreg:$0xb];
	[sflag:s26] =	ssyncadd.s32 $0xFFFFE700  }
0x4d: {  	[tilespmem:s30], [sflag:$0x7] =	stream.linear.gather [hbm4b:s0+s2], $0x1900, $0x38;
	[tilespmem:$0x1EE28] =	vst v63  }
0x4e: {  	s1 =	rddreg [dreg:$0xc]  }
0x4f: {  	[spmem:s1] =	stream.linear.scatter [tilespmem:s28], [sflag:$0xA], $0x1900, $0x38;
	[tilespmem:$0x1EE28] =	vst v63  }
0x50: {  	_ =	swait.ge [sflag:s31], $0x1900  }
0x51: {  	[sflag:s31] =	ssyncset.done $0x0  }
0x52: {  	[sflag:s31] =	ssyncadd.s32 $0xFFFFE700  }
0x53: {  	_ =	swait.ge [sflag:s25], $0x1900  }
0x54: {  	[sflag:s25] =	ssyncset.done $0x0  }
0x55: {  	s0 =	rddreg [dreg:$0xd];
	[sflag:s25] =	ssyncadd.s32 $0xFFFFE700  }
0x56: {  	[tilespmem:s28], [sflag:$0x8] =	stream.linear.gather [hbm4b:s0+s2], $0x1900, $0x38;
	[tilespmem:$0x1EE28] =	vst v63  }
0x57: {  	s1 =	rddreg [dreg:$0xe]  }
0x58: {  	[spmem:s1] =	stream.linear.scatter [tilespmem:s30], [sflag:$0x9], $0x1900, $0x38;
	[tilespmem:$0x1EE28] =	vst v63  }
0x59: {  	_ =	swait.ge [sflag:s29], $0x1900  }
0x5a: {  	[sflag:s29] =	ssyncset.done $0x0  }
0x5b: {  	[sflag:s29] =	ssyncadd.s32 $0xFFFFE700  }
0x5c: {  	_ =	swait.ge [sflag:s26], $0x1900  }
0x5d: {  	[sflag:s26] =	ssyncset.done $0x0  }
0x5e: {  	s0 =	rddreg [dreg:$0xf];
	[sflag:s26] =	ssyncadd.s32 $0xFFFFE700  }
0x5f: {  	[tilespmem:s30], [sflag:$0x7] =	stream.linear.gather [hbm4b:s0+s2], $0x1900, $0x38;
	[tilespmem:$0x1EE28] =	vst v63  }
0x60: {  	s1 =	rddreg [dreg:$0x10]  }
0x61: {  	[spmem:s1] =	stream.linear.scatter [tilespmem:s28], [sflag:$0xA], $0x1900, $0x38;
	[tilespmem:$0x1EE28] =	vst v63  }
0x62: {  	_ =	swait.ge [sflag:s31], $0x1900  }
0x63: {  	[sflag:s31] =	ssyncset.done $0x0  }
0x64: {  	[sflag:s31] =	ssyncadd.s32 $0xFFFFE700  }
0x65: {  	_ =	swait.ge [sflag:s25], $0x1900  }
0x66: {  	[sflag:s25] =	ssyncset.done $0x0  }
0x67: {  	s0 =	rddreg [dreg:$0x11];
	[sflag:s25] =	ssyncadd.s32 $0xFFFFE700  }
0x68: {  	[tilespmem:s28], [sflag:$0x8] =	stream.linear.gather [hbm4b:s0+s2], $0x1900, $0x38;
	[tilespmem:$0x1EE28] =	vst v63  }
0x69: {  	s1 =	rddreg [dreg:$0x12]  }
0x6a: {  	[spmem:s1] =	stream.linear.scatter [tilespmem:s30], [sflag:$0x9], $0x1900, $0x38;
	[tilespmem:$0x1EE28] =	vst v63  }
0x6b: {  	_ =	swait.ge [sflag:s29], $0x1900  }
0x6c: {  	[sflag:s29] =	ssyncset.done $0x0  }
0x6d: {  	[sflag:s29] =	ssyncadd.s32 $0xFFFFE700  }
0x6e: {  	_ =	swait.ge [sflag:s26], $0x1900  }
0x6f: {  	[sflag:s26] =	ssyncset.done $0x0  }
0x70: {  	s0 =	rddreg [dreg:$0x13];
	[sflag:s26] =	ssyncadd.s32 $0xFFFFE700  }
0x71: {  	[tilespmem:s30], [sflag:$0x7] =	stream.linear.gather [hbm4b:s0+s2], $0x1900, $0x38;
	[tilespmem:$0x1EE28] =	vst v63  }
0x72: {  	s1 =	rddreg [dreg:$0x14]  }
0x73: {  	[spmem:s1] =	stream.linear.scatter [tilespmem:s28], [sflag:$0xA], $0x1900, $0x38;
	[tilespmem:$0x1EE28] =	vst v63  }
0x74: {  	_ =	swait.ge [sflag:s31], $0x1900  }
0x75: {  	[sflag:s31] =	ssyncset.done $0x0  }
0x76: {  	[sflag:s31] =	ssyncadd.s32 $0xFFFFE700  }
0x77: {  	_ =	swait.ge [sflag:s25], $0x1900  }
0x78: {  	[sflag:s25] =	ssyncset.done $0x0  }
0x79: {  	s0 =	rddreg [dreg:$0x15];
	[sflag:s25] =	ssyncadd.s32 $0xFFFFE700  }
0x7a: {  	[tilespmem:s28], [sflag:$0x8] =	stream.linear.gather [hbm4b:s0+s2], $0x1340, $0x38;
	[tilespmem:$0x1EE28] =	vst v63  }
0x7b: {  	s1 =	rddreg [dreg:$0x16]  }
0x7c: {  	[spmem:s1] =	stream.linear.scatter [tilespmem:s30], [sflag:$0x9], $0x1900, $0x38;
	[tilespmem:$0x1EE28] =	vst v63  }
0x7d: {  	_ =	swait.ge [sflag:s29], $0x1340  }
0x7e: {  	[sflag:s29] =	ssyncset.done $0x0  }
0x7f: {  	s1 =	rddreg [dreg:$0x17];
	[sflag:s29] =	ssyncadd.s32 $0xFFFFECC0  }
0x80: {  	[spmem:s1] =	stream.linear.scatter [tilespmem:s28], [sflag:$0xA], $0x1340, $0x38;
	[tilespmem:$0x1EE28] =	vst v63  }
0x81: {  	_ =	swait.ge [sflag:s26], $0x1900  }
0x82: {  	[sflag:s26] =	ssyncset.done $0x0  }
0x83: {  	[sflag:s26] =	ssyncadd.s32 $0xFFFFE700  }
0x84: {  	_ =	swait.ge [sflag:s25], $0x1340  }
0x85: {  	[sflag:s25] =	ssyncset.done $0x0  }
0x86: {  	[sflag:s25] =	ssyncadd.s32 $0xFFFFECC0  }
0x87: {  	[bflag:$0x0] =	sbarrier.arrive $0xFFFF  }
0x88: {  	s1 =	rddreg [dreg:$0x18]  }
0x89: {  	[tilespmem:s16], [sflag:$0x1] =	stream.linear.gather [hbm4b:s1+s2], $0x3200, $0x38;
	[tilespmem:$0x1EE28] =	vst v63  }
0x8a: {  	_ =	swait.ge [sflag:s20], $0x3200  }
0x8b: {  	[sflag:s20] =	ssyncset.done $0x0  }
0x8c: {  	[sflag:s20] =	ssyncadd.s32 $0xFFFFCE00  }
0x8d: {  	[tilespmem:s14], [sflag:$0x3] =	stream.indirect.gather [spmem:s3], $0x1, s16, s7, $0xb8;
	[tilespmem:$0x1EE28] =	vst v63  }
0x8e: {  	s1 =	rddreg [dreg:$0x19]  }
0x8f: {  	[tilespmem:s9], [sflag:$0x2] =	stream.linear.gather [hbm4b:s1+s2], $0x3200, $0x38;
	[tilespmem:$0x1EE28] =	vst v63  }
0x90: {  	_ =	swait.ge [sflag:s19], $0x3200  }
0x91: {  	[sflag:s19] =	ssyncset.done $0x0  }
0x92: {  	s1 =	rddreg [dreg:$0x1a];
	[sflag:s19] =	ssyncadd.s32 $0xFFFFCE00  }
0x93: {  	[hbm4b:s1+s2] =	stream.linear.scatter [tilespmem:s14], [sflag:$0x5], $0x3200, $0x38;
	[tilespmem:$0x1EE28] =	vst v63  }
0x94: {  	_ =	swait.ge [sflag:s17], $0x3200  }
0x95: {  	[sflag:s17] =	ssyncset.done $0x0  }
0x96: {  	[sflag:s17] =	ssyncadd.s32 $0xFFFFCE00  }
0x97: {  	[tilespmem:s11], [sflag:$0x4] =	stream.indirect.gather [spmem:s3], $0x1, s9, s7, $0xb8;
	[tilespmem:$0x1EE28] =	vst v63  }
0x98: {  	s1 =	rddreg [dreg:$0x1b]  }
0x99: {  	[tilespmem:s16], [sflag:$0x1] =	stream.linear.gather [hbm4b:s1+s2], $0x3200, $0x38;
	[tilespmem:$0x1EE28] =	vst v63  }
0x9a: {  	_ =	swait.ge [sflag:s13], $0x3200  }
0x9b: {  	[sflag:s13] =	ssyncset.done $0x0  }
0x9c: {  	s1 =	rddreg [dreg:$0x1c];
	[sflag:s13] =	ssyncadd.s32 $0xFFFFCE00  }
0x9d: {  	[hbm4b:s1+s2] =	stream.linear.scatter [tilespmem:s11], [sflag:$0x6], $0x3200, $0x38;
	[tilespmem:$0x1EE28] =	vst v63  }
0x9e: {  	_ =	swait.ge [sflag:s20], $0x3200  }
0x9f: {  	[sflag:s20] =	ssyncset.done $0x0  }
0xa0: {  	[sflag:s20] =	ssyncadd.s32 $0xFFFFCE00  }
0xa1: {  	_ =	swait.ge [sflag:s10], $0x3200  }
0xa2: {  	[sflag:s10] =	ssyncset.done $0x0  }
0xa3: {  	[sflag:s10] =	ssyncadd.s32 $0xFFFFCE00  }
0xa4: {  	[tilespmem:s14], [sflag:$0x3] =	stream.indirect.gather [spmem:s3], $0x1, s16, s7, $0xb8;
	[tilespmem:$0x1EE28] =	vst v63  }
0xa5: {  	s1 =	rddreg [dreg:$0x1d]  }
0xa6: {  	[tilespmem:s9], [sflag:$0x2] =	stream.linear.gather [hbm4b:s1+s2], $0x3200, $0x38;
	[tilespmem:$0x1EE28] =	vst v63  }
0xa7: {  	_ =	swait.ge [sflag:s19], $0x3200  }
0xa8: {  	[sflag:s19] =	ssyncset.done $0x0  }
0xa9: {  	[sflag:s19] =	ssyncadd.s32 $0xFFFFCE00  }
0xaa: {  	[hbm4b:s24+s2] =	stream.linear.scatter [tilespmem:s14], [sflag:$0x5], $0x3200, $0x38;
	[tilespmem:$0x1EE28] =	vst v63  }
0xab: {  	_ =	swait.ge [sflag:s17], $0x3200  }
0xac: {  	[sflag:s17] =	ssyncset.done $0x0  }
0xad: {  	[sflag:s17] =	ssyncadd.s32 $0xFFFFCE00  }
0xae: {  	_ =	swait.ge [sflag:s8], $0x3200  }
0xaf: {  	[sflag:s8] =	ssyncset.done $0x0  }
0xb0: {  	[sflag:s8] =	ssyncadd.s32 $0xFFFFCE00  }
0xb1: {  	[tilespmem:s11], [sflag:$0x4] =	stream.indirect.gather [spmem:s3], $0x1, s9, s7, $0xb8;
	[tilespmem:$0x1EE28] =	vst v63  }
0xb2: {  	_ = 	snop  }
0xb3: {  	[tilespmem:s16], [sflag:$0x1] =	stream.linear.gather [hbm4b:s23+s2], $0x3200, $0x38;
	[tilespmem:$0x1EE28] =	vst v63  }
0xb4: {  	_ =	swait.ge [sflag:s13], $0x3200  }
0xb5: {  	[sflag:s13] =	ssyncset.done $0x0  }
0xb6: {  	[sflag:s13] =	ssyncadd.s32 $0xFFFFCE00  }
0xb7: {  	[hbm4b:s22+s2] =	stream.linear.scatter [tilespmem:s11], [sflag:$0x6], $0x3200, $0x38;
	[tilespmem:$0x1EE28] =	vst v63  }
0xb8: {  	_ =	swait.ge [sflag:s20], $0x3200  }
0xb9: {  	[sflag:s20] =	ssyncset.done $0x0  }
0xba: {  	[sflag:s20] =	ssyncadd.s32 $0xFFFFCE00  }
0xbb: {  	_ =	swait.ge [sflag:s10], $0x3200  }
0xbc: {  	[sflag:s10] =	ssyncset.done $0x0  }
0xbd: {  	[sflag:s10] =	ssyncadd.s32 $0xFFFFCE00  }
0xbe: {  	[tilespmem:s14], [sflag:$0x3] =	stream.indirect.gather [spmem:s3], $0x1, s16, s7, $0xb8;
	[tilespmem:$0x1EE28] =	vst v63  }
0xbf: {  	_ = 	snop  }
0xc0: {  	[tilespmem:s9], [sflag:$0x2] =	stream.linear.gather [hbm4b:s21+s2], $0x3200, $0x38;
	[tilespmem:$0x1EE28] =	vst v63  }
0xc1: {  	_ =	swait.ge [sflag:s19], $0x3200  }
0xc2: {  	[sflag:s19] =	ssyncset.done $0x0  }
0xc3: {  	[sflag:s19] =	ssyncadd.s32 $0xFFFFCE00  }
0xc4: {  	[hbm4b:s18+s2] =	stream.linear.scatter [tilespmem:s14], [sflag:$0x5], $0x3200, $0x38;
	[tilespmem:$0x1EE28] =	vst v63  }
0xc5: {  	_ =	swait.ge [sflag:s17], $0x3200  }
0xc6: {  	[sflag:s17] =	ssyncset.done $0x0  }
0xc7: {  	[sflag:s17] =	ssyncadd.s32 $0xFFFFCE00  }
0xc8: {  	_ =	swait.ge [sflag:s8], $0x3200  }
0xc9: {  	[sflag:s8] =	ssyncset.done $0x0  }
0xca: {  	[sflag:s8] =	ssyncadd.s32 $0xFFFFCE00  }
0xcb: {  	[tilespmem:s11], [sflag:$0x4] =	stream.indirect.gather [spmem:s3], $0x1, s9, s7, $0xb8;
	[tilespmem:$0x1EE28] =	vst v63  }
0xcc: {  	_ = 	snop  }
0xcd: {  	[tilespmem:s16], [sflag:$0x1] =	stream.linear.gather [hbm4b:s15+s2], $0x3200, $0x38;
	[tilespmem:$0x1EE28] =	vst v63  }
0xce: {  	_ =	swait.ge [sflag:s13], $0x3200  }
0xcf: {  	[sflag:s13] =	ssyncset.done $0x0  }
0xd0: {  	[sflag:s13] =	ssyncadd.s32 $0xFFFFCE00  }
0xd1: {  	[hbm4b:s12+s2] =	stream.linear.scatter [tilespmem:s11], [sflag:$0x6], $0x3200, $0x38;
	[tilespmem:$0x1EE28] =	vst v63  }
0xd2: {  	_ =	swait.ge [sflag:s20], $0x3200  }
0xd3: {  	[sflag:s20] =	ssyncset.done $0x0  }
0xd4: {  	[sflag:s20] =	ssyncadd.s32 $0xFFFFCE00  }
0xd5: {  	_ =	swait.ge [sflag:s10], $0x3200  }
0xd6: {  	[sflag:s10] =	ssyncset.done $0x0  }
0xd7: {  	[sflag:s10] =	ssyncadd.s32 $0xFFFFCE00  }
0xd8: {  	[tilespmem:s14], [sflag:$0x3] =	stream.indirect.gather [spmem:s3], $0x1, s16, s7, $0xb8;
	[tilespmem:$0x1EE28] =	vst v63  }
0xd9: {  	_ = 	snop  }
0xda: {  	[tilespmem:s9], [sflag:$0x2] =	stream.linear.gather [hbm4b:s6+s2], $0x3200, $0x38;
	[tilespmem:$0x1EE28] =	vst v63  }
0xdb: {  	_ =	swait.ge [sflag:s19], $0x3200  }
0xdc: {  	[sflag:s19] =	ssyncset.done $0x0  }
0xdd: {  	[sflag:s19] =	ssyncadd.s32 $0xFFFFCE00  }
0xde: {  	[hbm4b:s5+s2] =	stream.linear.scatter [tilespmem:s14], [sflag:$0x5], $0x3200, $0x38;
	[tilespmem:$0x1EE28] =	vst v63  }
0xdf: {  	_ =	swait.ge [sflag:s17], $0x3200  }
0xe0: {  	[sflag:s17] =	ssyncset.done $0x0  }
0xe1: {  	[sflag:s17] =	ssyncadd.s32 $0xFFFFCE00  }
0xe2: {  	_ =	swait.ge [sflag:s8], $0x3200  }
0xe3: {  	[sflag:s8] =	ssyncset.done $0x0  }
0xe4: {  	[sflag:s8] =	ssyncadd.s32 $0xFFFFCE00  }
0xe5: {  	[tilespmem:s11], [sflag:$0x4] =	stream.indirect.gather [spmem:s3], $0x1, s9, s7, $0xb8;
	[tilespmem:$0x1EE28] =	vst v63  }
0xe6: {  	_ =	swait.ge [sflag:s13], $0x3200  }
0xe7: {  	[sflag:s13] =	ssyncset.done $0x0  }
0xe8: {  	[sflag:s13] =	ssyncadd.s32 $0xFFFFCE00  }
0xe9: {  	[hbm4b:s4+s2] =	stream.linear.scatter [tilespmem:s11], [sflag:$0x6], $0x3200, $0x38;
	[tilespmem:$0x1EE28] =	vst v63  }
0xea: {  	_ =	swait.ge [sflag:s10], $0x3200  }
0xeb: {  	s1 =	rddreg [dreg:$0x1e]  }
0xec: {  	p1 =	sne.s32 s1, $0x1  }
.Ltmp1:
0xed: {  	_ = 	snop;
	(pc) =	sbr.rel @!p1 .LBB2_3-.Ltmp1, $4  }
0xee: {  	[sflag:s10] =	ssyncset.done $0x0  }
0xef: {  	[sflag:s10] =	ssyncadd.s32 $0xFFFFCE00  }
0xf0: {  	p0 =	por $0x1, $0x1;
	_ =	swait.ge [sflag:s8], $0x3200  }
0xf1: {  	s0 =	sadd.s32 $0xFFFFFFFF, s1;
	s1 =	rddreg [dreg:$0x4];
	[sflag:s8] =	ssyncset.done $0x0  }
.LBB2_2:
0xf2: {  	[sflag:s8] =	ssyncadd.s32 $0xFFFFCE00;
	s7 =	smov.u32 s3  }
0xf3: {  	s3 =	smov.u32 s24;
	s24 =	smov.u32 s23;
	s23 =	smov.u32 s22  }
0xf4: {  	[tilespmem:s30], [sflag:$0x7] =	stream.linear.gather [hbm4b:s1+s2], $0x1900, $0x38;
	[tilespmem:$0x1EE28] =	vst v63  }
0xf5: {  	s22 =	smov.u32 s21;
	s21 =	smov.u32 s18;
	_ =	swait.ge [sflag:s31], $0x1900  }
0xf6: {  	s18 =	smov.u32 s15;
	s15 =	smov.u32 s12;
	[sflag:s31] =	ssyncset.done $0x0  }
0xf7: {  	s12 =	smov.u32 s6;
	s1 =	rddreg [dreg:$0x5];
	[sflag:s31] =	ssyncadd.s32 $0xFFFFE700  }
0xf8: {  	[tilespmem:s28], [sflag:$0x8] =	stream.linear.gather [hbm4b:s1+s2], $0x1900, $0x38;
	[tilespmem:$0x1EE28] =	vst v63  }
0xf9: {  	s6 =	smov.u32 s5;
	s5 =	smov.u32 s4;
	s4 =	rddreg [dreg:$0x6]  }
0xfa: {  	[spmem:s4] =	stream.linear.scatter [tilespmem:s30], [sflag:$0x9], $0x1900, $0x38;
	[tilespmem:$0x1EE28] =	vst v63  }
0xfb: {  	_ =	swait.ge [sflag:s29], $0x1900  }
0xfc: {  	[sflag:s29] =	ssyncset.done $0x0  }
0xfd: {  	[sflag:s29] =	ssyncadd.s32 $0xFFFFE700  }
0xfe: {  	_ =	swait.ge [sflag:s26], $0x1900  }
0xff: {  	[sflag:s26] =	ssyncset.done $0x0  }
0x100: {  	s1 =	rddreg [dreg:$0x7];
	[sflag:s26] =	ssyncadd.s32 $0xFFFFE700  }
0x101: {  	[tilespmem:s30], [sflag:$0x7] =	stream.linear.gather [hbm4b:s1+s2], $0x1900, $0x38;
	[tilespmem:$0x1EE28] =	vst v63  }
0x102: {  	s4 =	rddreg [dreg:$0x8]  }
0x103: {  	[spmem:s4] =	stream.linear.scatter [tilespmem:s28], [sflag:$0xA], $0x1900, $0x38;
	[tilespmem:$0x1EE28] =	vst v63  }
0x104: {  	_ =	swait.ge [sflag:s31], $0x1900  }
0x105: {  	[sflag:s31] =	ssyncset.done $0x0  }
0x106: {  	[sflag:s31] =	ssyncadd.s32 $0xFFFFE700  }
0x107: {  	_ =	swait.ge [sflag:s25], $0x1900  }
0x108: {  	[sflag:s25] =	ssyncset.done $0x0  }
0x109: {  	s1 =	rddreg [dreg:$0x9];
	[sflag:s25] =	ssyncadd.s32 $0xFFFFE700  }
0x10a: {  	[tilespmem:s28], [sflag:$0x8] =	stream.linear.gather [hbm4b:s1+s2], $0x1900, $0x38;
	[tilespmem:$0x1EE28] =	vst v63  }
0x10b: {  	s4 =	rddreg [dreg:$0xa]  }
0x10c: {  	[spmem:s4] =	stream.linear.scatter [tilespmem:s30], [sflag:$0x9], $0x1900, $0x38;
	[tilespmem:$0x1EE28] =	vst v63  }
0x10d: {  	_ =	swait.ge [sflag:s29], $0x1900  }
0x10e: {  	[sflag:s29] =	ssyncset.done $0x0  }
0x10f: {  	[sflag:s29] =	ssyncadd.s32 $0xFFFFE700  }
0x110: {  	_ =	swait.ge [sflag:s26], $0x1900  }
0x111: {  	[sflag:s26] =	ssyncset.done $0x0  }
0x112: {  	s1 =	rddreg [dreg:$0xb];
	[sflag:s26] =	ssyncadd.s32 $0xFFFFE700  }
0x113: {  	[tilespmem:s30], [sflag:$0x7] =	stream.linear.gather [hbm4b:s1+s2], $0x1900, $0x38;
	[tilespmem:$0x1EE28] =	vst v63  }
0x114: {  	s4 =	rddreg [dreg:$0xc]  }
0x115: {  	[spmem:s4] =	stream.linear.scatter [tilespmem:s28], [sflag:$0xA], $0x1900, $0x38;
	[tilespmem:$0x1EE28] =	vst v63  }
0x116: {  	_ =	swait.ge [sflag:s31], $0x1900  }
0x117: {  	[sflag:s31] =	ssyncset.done $0x0  }
0x118: {  	[sflag:s31] =	ssyncadd.s32 $0xFFFFE700  }
0x119: {  	_ =	swait.ge [sflag:s25], $0x1900  }
0x11a: {  	[sflag:s25] =	ssyncset.done $0x0  }
0x11b: {  	s1 =	rddreg [dreg:$0xd];
	[sflag:s25] =	ssyncadd.s32 $0xFFFFE700  }
0x11c: {  	[tilespmem:s28], [sflag:$0x8] =	stream.linear.gather [hbm4b:s1+s2], $0x1900, $0x38;
	[tilespmem:$0x1EE28] =	vst v63  }
0x11d: {  	s4 =	rddreg [dreg:$0xe]  }
0x11e: {  	[spmem:s4] =	stream.linear.scatter [tilespmem:s30], [sflag:$0x9], $0x1900, $0x38;
	[tilespmem:$0x1EE28] =	vst v63  }
0x11f: {  	_ =	swait.ge [sflag:s29], $0x1900  }
0x120: {  	[sflag:s29] =	ssyncset.done $0x0  }
0x121: {  	[sflag:s29] =	ssyncadd.s32 $0xFFFFE700  }
0x122: {  	_ =	swait.ge [sflag:s26], $0x1900  }
0x123: {  	[sflag:s26] =	ssyncset.done $0x0  }
0x124: {  	s1 =	rddreg [dreg:$0xf];
	[sflag:s26] =	ssyncadd.s32 $0xFFFFE700  }
0x125: {  	[tilespmem:s30], [sflag:$0x7] =	stream.linear.gather [hbm4b:s1+s2], $0x1900, $0x38;
	[tilespmem:$0x1EE28] =	vst v63  }
0x126: {  	s4 =	rddreg [dreg:$0x10]  }
0x127: {  	[spmem:s4] =	stream.linear.scatter [tilespmem:s28], [sflag:$0xA], $0x1900, $0x38;
	[tilespmem:$0x1EE28] =	vst v63  }
0x128: {  	_ =	swait.ge [sflag:s31], $0x1900  }
0x129: {  	[sflag:s31] =	ssyncset.done $0x0  }
0x12a: {  	[sflag:s31] =	ssyncadd.s32 $0xFFFFE700  }
0x12b: {  	_ =	swait.ge [sflag:s25], $0x1900  }
0x12c: {  	[sflag:s25] =	ssyncset.done $0x0  }
0x12d: {  	s1 =	rddreg [dreg:$0x11];
	[sflag:s25] =	ssyncadd.s32 $0xFFFFE700  }
0x12e: {  	[tilespmem:s28], [sflag:$0x8] =	stream.linear.gather [hbm4b:s1+s2], $0x1900, $0x38;
	[tilespmem:$0x1EE28] =	vst v63  }
0x12f: {  	s4 =	rddreg [dreg:$0x12]  }
0x130: {  	[spmem:s4] =	stream.linear.scatter [tilespmem:s30], [sflag:$0x9], $0x1900, $0x38;
	[tilespmem:$0x1EE28] =	vst v63  }
0x131: {  	_ =	swait.ge [sflag:s29], $0x1900  }
0x132: {  	[sflag:s29] =	ssyncset.done $0x0  }
0x133: {  	[sflag:s29] =	ssyncadd.s32 $0xFFFFE700  }
0x134: {  	_ =	swait.ge [sflag:s26], $0x1900  }
0x135: {  	[sflag:s26] =	ssyncset.done $0x0  }
0x136: {  	s1 =	rddreg [dreg:$0x13];
	[sflag:s26] =	ssyncadd.s32 $0xFFFFE700  }
0x137: {  	[tilespmem:s30], [sflag:$0x7] =	stream.linear.gather [hbm4b:s1+s2], $0x1900, $0x38;
	[tilespmem:$0x1EE28] =	vst v63  }
0x138: {  	s4 =	rddreg [dreg:$0x14]  }
0x139: {  	[spmem:s4] =	stream.linear.scatter [tilespmem:s28], [sflag:$0xA], $0x1900, $0x38;
	[tilespmem:$0x1EE28] =	vst v63  }
0x13a: {  	_ =	swait.ge [sflag:s31], $0x1900  }
0x13b: {  	[sflag:s31] =	ssyncset.done $0x0  }
0x13c: {  	[sflag:s31] =	ssyncadd.s32 $0xFFFFE700  }
0x13d: {  	_ =	swait.ge [sflag:s25], $0x1900  }
0x13e: {  	[sflag:s25] =	ssyncset.done $0x0  }
0x13f: {  	s1 =	rddreg [dreg:$0x15];
	[sflag:s25] =	ssyncadd.s32 $0xFFFFE700  }
0x140: {  	[tilespmem:s28], [sflag:$0x8] =	stream.linear.gather [hbm4b:s1+s2], $0x1340, $0x38;
	[tilespmem:$0x1EE28] =	vst v63  }
0x141: {  	s4 =	rddreg [dreg:$0x16]  }
0x142: {  	[spmem:s4] =	stream.linear.scatter [tilespmem:s30], [sflag:$0x9], $0x1900, $0x38;
	[tilespmem:$0x1EE28] =	vst v63  }
0x143: {  	_ =	swait.ge [sflag:s29], $0x1340  }
0x144: {  	[sflag:s29] =	ssyncset.done $0x0  }
0x145: {  	s1 =	rddreg [dreg:$0x17];
	[sflag:s29] =	ssyncadd.s32 $0xFFFFECC0  }
0x146: {  	[spmem:s1] =	stream.linear.scatter [tilespmem:s28], [sflag:$0xA], $0x1340, $0x38;
	[tilespmem:$0x1EE28] =	vst v63  }
0x147: {  	_ =	swait.ge [sflag:s26], $0x1900  }
0x148: {  	[sflag:s26] =	ssyncset.done $0x0  }
0x149: {  	[sflag:s26] =	ssyncadd.s32 $0xFFFFE700  }
0x14a: {  	_ =	swait.ge [sflag:s25], $0x1340  }
0x14b: {  	[sflag:s25] =	ssyncset.done $0x0  }
0x14c: {  	s4 =	smov.u32 s5;
	s5 =	smov.u32 s6;
	[sflag:s25] =	ssyncadd.s32 $0xFFFFECC0  }
0x14d: {  	s6 =	smov.u32 s12;
	s12 =	smov.u32 s15;
	[bflag:$0x0] =	sbarrier.arrive $0xFFFF  }
0x14e: {  	s15 =	smov.u32 s18;
	s18 =	smov.u32 s21;
	s1 =	rddreg [dreg:$0x18]  }
0x14f: {  	[tilespmem:s16], [sflag:$0x1] =	stream.linear.gather [hbm4b:s1+s2], $0x3200, $0x38;
	[tilespmem:$0x1EE28] =	vst v63  }
0x150: {  	s21 =	smov.u32 s22;
	s22 =	smov.u32 s23;
	_ =	swait.ge [sflag:s20], $0x3200  }
0x151: {  	s23 =	smov.u32 s24;
	s24 =	smov.u32 s3;
	[sflag:s20] =	ssyncset.done $0x0  }
0x152: {  	s3 =	smov.u32 s7;
	s7 =	simm.s32 $0x3200;
	[sflag:s20] =	ssyncadd.s32 $0xFFFFCE00  }
0x153: {  	[tilespmem:s14], [sflag:$0x3] =	stream.indirect.gather [spmem:s3], $0x1, s16, s7, $0xb8;
	[tilespmem:$0x1EE28] =	vst v63  }
0x154: {  	s1 =	rddreg [dreg:$0x19]  }
0x155: {  	[tilespmem:s9], [sflag:$0x2] =	stream.linear.gather [hbm4b:s1+s2], $0x3200, $0x38;
	[tilespmem:$0x1EE28] =	vst v63  }
0x156: {  	_ =	swait.ge [sflag:s19], $0x3200  }
0x157: {  	[sflag:s19] =	ssyncset.done $0x0  }
0x158: {  	s1 =	rddreg [dreg:$0x1a];
	[sflag:s19] =	ssyncadd.s32 $0xFFFFCE00  }
0x159: {  	[hbm4b:s1+s2] =	stream.linear.scatter [tilespmem:s14], [sflag:$0x5], $0x3200, $0x38;
	[tilespmem:$0x1EE28] =	vst v63  }
0x15a: {  	_ =	swait.ge [sflag:s17], $0x3200  }
0x15b: {  	[sflag:s17] =	ssyncset.done $0x0  }
0x15c: {  	[sflag:s17] =	ssyncadd.s32 $0xFFFFCE00  }
0x15d: {  	[tilespmem:s11], [sflag:$0x4] =	stream.indirect.gather [spmem:s3], $0x1, s9, s7, $0xb8;
	[tilespmem:$0x1EE28] =	vst v63  }
0x15e: {  	s1 =	rddreg [dreg:$0x1b]  }
0x15f: {  	[tilespmem:s16], [sflag:$0x1] =	stream.linear.gather [hbm4b:s1+s2], $0x3200, $0x38;
	[tilespmem:$0x1EE28] =	vst v63  }
0x160: {  	_ =	swait.ge [sflag:s13], $0x3200  }
0x161: {  	[sflag:s13] =	ssyncset.done $0x0  }
0x162: {  	s1 =	rddreg [dreg:$0x1c];
	[sflag:s13] =	ssyncadd.s32 $0xFFFFCE00  }
0x163: {  	[hbm4b:s1+s2] =	stream.linear.scatter [tilespmem:s11], [sflag:$0x6], $0x3200, $0x38;
	[tilespmem:$0x1EE28] =	vst v63  }
0x164: {  	_ =	swait.ge [sflag:s20], $0x3200  }
0x165: {  	[sflag:s20] =	ssyncset.done $0x0  }
0x166: {  	[sflag:s20] =	ssyncadd.s32 $0xFFFFCE00  }
0x167: {  	_ =	swait.ge [sflag:s10], $0x3200  }
0x168: {  	[sflag:s10] =	ssyncset.done $0x0  }
0x169: {  	[sflag:s10] =	ssyncadd.s32 $0xFFFFCE00  }
0x16a: {  	[tilespmem:s14], [sflag:$0x3] =	stream.indirect.gather [spmem:s3], $0x1, s16, s7, $0xb8;
	[tilespmem:$0x1EE28] =	vst v63  }
0x16b: {  	s1 =	rddreg [dreg:$0x1d]  }
0x16c: {  	[tilespmem:s9], [sflag:$0x2] =	stream.linear.gather [hbm4b:s1+s2], $0x3200, $0x38;
	[tilespmem:$0x1EE28] =	vst v63  }
0x16d: {  	_ =	swait.ge [sflag:s19], $0x3200  }
0x16e: {  	[sflag:s19] =	ssyncset.done $0x0  }
0x16f: {  	[sflag:s19] =	ssyncadd.s32 $0xFFFFCE00  }
0x170: {  	[hbm4b:s24+s2] =	stream.linear.scatter [tilespmem:s14], [sflag:$0x5], $0x3200, $0x38;
	[tilespmem:$0x1EE28] =	vst v63  }
0x171: {  	_ =	swait.ge [sflag:s17], $0x3200  }
0x172: {  	[sflag:s17] =	ssyncset.done $0x0  }
0x173: {  	[sflag:s17] =	ssyncadd.s32 $0xFFFFCE00  }
0x174: {  	_ =	swait.ge [sflag:s8], $0x3200  }
0x175: {  	[sflag:s8] =	ssyncset.done $0x0  }
0x176: {  	[sflag:s8] =	ssyncadd.s32 $0xFFFFCE00  }
0x177: {  	[tilespmem:s11], [sflag:$0x4] =	stream.indirect.gather [spmem:s3], $0x1, s9, s7, $0xb8;
	[tilespmem:$0x1EE28] =	vst v63  }
0x178: {  	_ = 	snop  }
0x179: {  	[tilespmem:s16], [sflag:$0x1] =	stream.linear.gather [hbm4b:s23+s2], $0x3200, $0x38;
	[tilespmem:$0x1EE28] =	vst v63  }
0x17a: {  	_ =	swait.ge [sflag:s13], $0x3200  }
0x17b: {  	[sflag:s13] =	ssyncset.done $0x0  }
0x17c: {  	[sflag:s13] =	ssyncadd.s32 $0xFFFFCE00  }
0x17d: {  	[hbm4b:s22+s2] =	stream.linear.scatter [tilespmem:s11], [sflag:$0x6], $0x3200, $0x38;
	[tilespmem:$0x1EE28] =	vst v63  }
0x17e: {  	_ =	swait.ge [sflag:s20], $0x3200  }
0x17f: {  	[sflag:s20] =	ssyncset.done $0x0  }
0x180: {  	[sflag:s20] =	ssyncadd.s32 $0xFFFFCE00  }
0x181: {  	_ =	swait.ge [sflag:s10], $0x3200  }
0x182: {  	[sflag:s10] =	ssyncset.done $0x0  }
0x183: {  	[sflag:s10] =	ssyncadd.s32 $0xFFFFCE00  }
0x184: {  	[tilespmem:s14], [sflag:$0x3] =	stream.indirect.gather [spmem:s3], $0x1, s16, s7, $0xb8;
	[tilespmem:$0x1EE28] =	vst v63  }
0x185: {  	_ = 	snop  }
0x186: {  	[tilespmem:s9], [sflag:$0x2] =	stream.linear.gather [hbm4b:s21+s2], $0x3200, $0x38;
	[tilespmem:$0x1EE28] =	vst v63  }
0x187: {  	_ =	swait.ge [sflag:s19], $0x3200  }
0x188: {  	[sflag:s19] =	ssyncset.done $0x0  }
0x189: {  	[sflag:s19] =	ssyncadd.s32 $0xFFFFCE00  }
0x18a: {  	[hbm4b:s18+s2] =	stream.linear.scatter [tilespmem:s14], [sflag:$0x5], $0x3200, $0x38;
	[tilespmem:$0x1EE28] =	vst v63  }
0x18b: {  	_ =	swait.ge [sflag:s17], $0x3200  }
0x18c: {  	[sflag:s17] =	ssyncset.done $0x0  }
0x18d: {  	[sflag:s17] =	ssyncadd.s32 $0xFFFFCE00  }
0x18e: {  	_ =	swait.ge [sflag:s8], $0x3200  }
0x18f: {  	[sflag:s8] =	ssyncset.done $0x0  }
0x190: {  	[sflag:s8] =	ssyncadd.s32 $0xFFFFCE00  }
0x191: {  	[tilespmem:s11], [sflag:$0x4] =	stream.indirect.gather [spmem:s3], $0x1, s9, s7, $0xb8;
	[tilespmem:$0x1EE28] =	vst v63  }
0x192: {  	_ = 	snop  }
0x193: {  	[tilespmem:s16], [sflag:$0x1] =	stream.linear.gather [hbm4b:s15+s2], $0x3200, $0x38;
	[tilespmem:$0x1EE28] =	vst v63  }
0x194: {  	_ =	swait.ge [sflag:s13], $0x3200  }
0x195: {  	[sflag:s13] =	ssyncset.done $0x0  }
0x196: {  	[sflag:s13] =	ssyncadd.s32 $0xFFFFCE00  }
0x197: {  	[hbm4b:s12+s2] =	stream.linear.scatter [tilespmem:s11], [sflag:$0x6], $0x3200, $0x38;
	[tilespmem:$0x1EE28] =	vst v63  }
0x198: {  	_ =	swait.ge [sflag:s20], $0x3200  }
0x199: {  	[sflag:s20] =	ssyncset.done $0x0  }
0x19a: {  	[sflag:s20] =	ssyncadd.s32 $0xFFFFCE00  }
0x19b: {  	_ =	swait.ge [sflag:s10], $0x3200  }
0x19c: {  	[sflag:s10] =	ssyncset.done $0x0  }
0x19d: {  	[sflag:s10] =	ssyncadd.s32 $0xFFFFCE00  }
0x19e: {  	[tilespmem:s14], [sflag:$0x3] =	stream.indirect.gather [spmem:s3], $0x1, s16, s7, $0xb8;
	[tilespmem:$0x1EE28] =	vst v63  }
0x19f: {  	_ = 	snop  }
0x1a0: {  	[tilespmem:s9], [sflag:$0x2] =	stream.linear.gather [hbm4b:s6+s2], $0x3200, $0x38;
	[tilespmem:$0x1EE28] =	vst v63  }
0x1a1: {  	_ =	swait.ge [sflag:s19], $0x3200  }
0x1a2: {  	[sflag:s19] =	ssyncset.done $0x0  }
0x1a3: {  	[sflag:s19] =	ssyncadd.s32 $0xFFFFCE00  }
0x1a4: {  	[hbm4b:s5+s2] =	stream.linear.scatter [tilespmem:s14], [sflag:$0x5], $0x3200, $0x38;
	[tilespmem:$0x1EE28] =	vst v63  }
0x1a5: {  	_ =	swait.ge [sflag:s17], $0x3200  }
0x1a6: {  	[sflag:s17] =	ssyncset.done $0x0  }
0x1a7: {  	[sflag:s17] =	ssyncadd.s32 $0xFFFFCE00  }
0x1a8: {  	_ =	swait.ge [sflag:s8], $0x3200  }
0x1a9: {  	[sflag:s8] =	ssyncset.done $0x0  }
0x1aa: {  	[sflag:s8] =	ssyncadd.s32 $0xFFFFCE00  }
0x1ab: {  	[tilespmem:s11], [sflag:$0x4] =	stream.indirect.gather [spmem:s3], $0x1, s9, s7, $0xb8;
	[tilespmem:$0x1EE28] =	vst v63  }
0x1ac: {  	_ =	swait.ge [sflag:s13], $0x3200  }
0x1ad: {  	[sflag:s13] =	ssyncset.done $0x0  }
0x1ae: {  	p1 =	sne.s32 s0, $0x1;
	[sflag:s13] =	ssyncadd.s32 $0xFFFFCE00  }
0x1af: {  	[hbm4b:s4+s2] =	stream.linear.scatter [tilespmem:s11], [sflag:$0x6], $0x3200, $0x38;
	[tilespmem:$0x1EE28] =	vst v63  }
.Ltmp2:
0x1b0: {  	_ =	swait.ge [sflag:s10], $0x3200;
	(pc) =	sbr.rel @p1 .LBB2_2-.Ltmp2, $4  }
0x1b1: {  	[sflag:s10] =	ssyncset.done $0x0  }
0x1b2: {  	[sflag:s10] =	ssyncadd.s32 $0xFFFFCE00  }
0x1b3: {  	_ =	swait.ge [sflag:s8], $0x3200  }
0x1b4: {  	s0 =	sadd.s32 $0xFFFFFFFF, s0;
	s1 =	rddreg [dreg:$0x4];
	[sflag:s8] =	ssyncset.done $0x0  }
.LBB2_3:
0x1b5: {  	[sflag:s8] =	ssyncadd.s32 @p0 $0xFFFFCE00  }
0x1b6: {  	[tilespmem:s30], [sflag:$0x7] =	stream.linear.gather [hbm4b:s1+s2], $0x1900, $0x38;
	[tilespmem:$0x1EE28] =	vst v63  }
0x1b7: {  	_ =	swait.ge [sflag:s31], $0x1900  }
0x1b8: {  	[sflag:s31] =	ssyncset.done $0x0  }
0x1b9: {  	s0 =	rddreg [dreg:$0x5];
	[sflag:s31] =	ssyncadd.s32 $0xFFFFE700  }
0x1ba: {  	[tilespmem:s28], [sflag:$0x8] =	stream.linear.gather [hbm4b:s0+s2], $0x1900, $0x38;
	[tilespmem:$0x1EE28] =	vst v63  }
0x1bb: {  	s1 =	rddreg [dreg:$0x6]  }
0x1bc: {  	[spmem:s1] =	stream.linear.scatter [tilespmem:s30], [sflag:$0x9], $0x1900, $0x38;
	[tilespmem:$0x1EE28] =	vst v63  }
0x1bd: {  	_ =	swait.ge [sflag:s29], $0x1900  }
0x1be: {  	[sflag:s29] =	ssyncset.done $0x0  }
0x1bf: {  	[sflag:s29] =	ssyncadd.s32 $0xFFFFE700  }
0x1c0: {  	_ =	swait.ge [sflag:s26], $0x1900  }
0x1c1: {  	[sflag:s26] =	ssyncset.done $0x0  }
0x1c2: {  	s0 =	rddreg [dreg:$0x7];
	[sflag:s26] =	ssyncadd.s32 $0xFFFFE700  }
0x1c3: {  	[tilespmem:s30], [sflag:$0x7] =	stream.linear.gather [hbm4b:s0+s2], $0x1900, $0x38;
	[tilespmem:$0x1EE28] =	vst v63  }
0x1c4: {  	s1 =	rddreg [dreg:$0x8]  }
0x1c5: {  	[spmem:s1] =	stream.linear.scatter [tilespmem:s28], [sflag:$0xA], $0x1900, $0x38;
	[tilespmem:$0x1EE28] =	vst v63  }
0x1c6: {  	_ =	swait.ge [sflag:s31], $0x1900  }
0x1c7: {  	[sflag:s31] =	ssyncset.done $0x0  }
0x1c8: {  	[sflag:s31] =	ssyncadd.s32 $0xFFFFE700  }
0x1c9: {  	_ =	swait.ge [sflag:s25], $0x1900  }
0x1ca: {  	[sflag:s25] =	ssyncset.done $0x0  }
0x1cb: {  	s0 =	rddreg [dreg:$0x9];
	[sflag:s25] =	ssyncadd.s32 $0xFFFFE700  }
0x1cc: {  	[tilespmem:s28], [sflag:$0x8] =	stream.linear.gather [hbm4b:s0+s2], $0x1900, $0x38;
	[tilespmem:$0x1EE28] =	vst v63  }
0x1cd: {  	s1 =	rddreg [dreg:$0xa]  }
0x1ce: {  	[spmem:s1] =	stream.linear.scatter [tilespmem:s30], [sflag:$0x9], $0x1900, $0x38;
	[tilespmem:$0x1EE28] =	vst v63  }
0x1cf: {  	_ =	swait.ge [sflag:s29], $0x1900  }
0x1d0: {  	[sflag:s29] =	ssyncset.done $0x0  }
0x1d1: {  	[sflag:s29] =	ssyncadd.s32 $0xFFFFE700  }
0x1d2: {  	_ =	swait.ge [sflag:s26], $0x1900  }
0x1d3: {  	[sflag:s26] =	ssyncset.done $0x0  }
0x1d4: {  	s0 =	rddreg [dreg:$0xb];
	[sflag:s26] =	ssyncadd.s32 $0xFFFFE700  }
0x1d5: {  	[tilespmem:s30], [sflag:$0x7] =	stream.linear.gather [hbm4b:s0+s2], $0x1900, $0x38;
	[tilespmem:$0x1EE28] =	vst v63  }
0x1d6: {  	s1 =	rddreg [dreg:$0xc]  }
0x1d7: {  	[spmem:s1] =	stream.linear.scatter [tilespmem:s28], [sflag:$0xA], $0x1900, $0x38;
	[tilespmem:$0x1EE28] =	vst v63  }
0x1d8: {  	_ =	swait.ge [sflag:s31], $0x1900  }
0x1d9: {  	[sflag:s31] =	ssyncset.done $0x0  }
0x1da: {  	[sflag:s31] =	ssyncadd.s32 $0xFFFFE700  }
0x1db: {  	_ =	swait.ge [sflag:s25], $0x1900  }
0x1dc: {  	[sflag:s25] =	ssyncset.done $0x0  }
0x1dd: {  	s0 =	rddreg [dreg:$0xd];
	[sflag:s25] =	ssyncadd.s32 $0xFFFFE700  }
0x1de: {  	[tilespmem:s28], [sflag:$0x8] =	stream.linear.gather [hbm4b:s0+s2], $0x1900, $0x38;
	[tilespmem:$0x1EE28] =	vst v63  }
0x1df: {  	s1 =	rddreg [dreg:$0xe]  }
0x1e0: {  	[spmem:s1] =	stream.linear.scatter [tilespmem:s30], [sflag:$0x9], $0x1900, $0x38;
	[tilespmem:$0x1EE28] =	vst v63  }
0x1e1: {  	_ =	swait.ge [sflag:s29], $0x1900  }
0x1e2: {  	[sflag:s29] =	ssyncset.done $0x0  }
0x1e3: {  	[sflag:s29] =	ssyncadd.s32 $0xFFFFE700  }
0x1e4: {  	_ =	swait.ge [sflag:s26], $0x1900  }
0x1e5: {  	[sflag:s26] =	ssyncset.done $0x0  }
0x1e6: {  	s0 =	rddreg [dreg:$0xf];
	[sflag:s26] =	ssyncadd.s32 $0xFFFFE700  }
0x1e7: {  	[tilespmem:s30], [sflag:$0x7] =	stream.linear.gather [hbm4b:s0+s2], $0x1900, $0x38;
	[tilespmem:$0x1EE28] =	vst v63  }
0x1e8: {  	s1 =	rddreg [dreg:$0x10]  }
0x1e9: {  	[spmem:s1] =	stream.linear.scatter [tilespmem:s28], [sflag:$0xA], $0x1900, $0x38;
	[tilespmem:$0x1EE28] =	vst v63  }
0x1ea: {  	_ =	swait.ge [sflag:s31], $0x1900  }
0x1eb: {  	[sflag:s31] =	ssyncset.done $0x0  }
0x1ec: {  	[sflag:s31] =	ssyncadd.s32 $0xFFFFE700  }
0x1ed: {  	_ =	swait.ge [sflag:s25], $0x1900  }
0x1ee: {  	[sflag:s25] =	ssyncset.done $0x0  }
0x1ef: {  	s0 =	rddreg [dreg:$0x11];
	[sflag:s25] =	ssyncadd.s32 $0xFFFFE700  }
0x1f0: {  	[tilespmem:s28], [sflag:$0x8] =	stream.linear.gather [hbm4b:s0+s2], $0x1900, $0x38;
	[tilespmem:$0x1EE28] =	vst v63  }
0x1f1: {  	s1 =	rddreg [dreg:$0x12]  }
0x1f2: {  	[spmem:s1] =	stream.linear.scatter [tilespmem:s30], [sflag:$0x9], $0x1900, $0x38;
	[tilespmem:$0x1EE28] =	vst v63  }
0x1f3: {  	_ =	swait.ge [sflag:s29], $0x1900  }
0x1f4: {  	[sflag:s29] =	ssyncset.done $0x0  }
0x1f5: {  	[sflag:s29] =	ssyncadd.s32 $0xFFFFE700  }
0x1f6: {  	_ =	swait.ge [sflag:s26], $0x1900  }
0x1f7: {  	[sflag:s26] =	ssyncset.done $0x0  }
0x1f8: {  	s0 =	rddreg [dreg:$0x13];
	[sflag:s26] =	ssyncadd.s32 $0xFFFFE700  }
0x1f9: {  	[tilespmem:s30], [sflag:$0x7] =	stream.linear.gather [hbm4b:s0+s2], $0x1900, $0x38;
	[tilespmem:$0x1EE28] =	vst v63  }
0x1fa: {  	s1 =	rddreg [dreg:$0x14]  }
0x1fb: {  	[spmem:s1] =	stream.linear.scatter [tilespmem:s28], [sflag:$0xA], $0x1900, $0x38;
	[tilespmem:$0x1EE28] =	vst v63  }
0x1fc: {  	_ =	swait.ge [sflag:s31], $0x1900  }
0x1fd: {  	[sflag:s31] =	ssyncset.done $0x0  }
0x1fe: {  	[sflag:s31] =	ssyncadd.s32 $0xFFFFE700  }
0x1ff: {  	_ =	swait.ge [sflag:s25], $0x1900  }
0x200: {  	[sflag:s25] =	ssyncset.done $0x0  }
0x201: {  	s1 =	rddreg [dreg:$0x15];
	[sflag:s25] =	ssyncadd.s32 $0xFFFFE700  }
0x202: {  	[tilespmem:s28], [sflag:$0x8] =	stream.linear.gather [hbm4b:s1+s2], $0x1340, $0x38;
	[tilespmem:$0x1EE28] =	vst v63  }
0x203: {  	s31 =	rddreg [dreg:$0x16]  }
0x204: {  	[spmem:s31] =	stream.linear.scatter [tilespmem:s30], [sflag:$0x9], $0x1900, $0x38;
	[tilespmem:$0x1EE28] =	vst v63  }
0x205: {  	_ =	swait.ge [sflag:s29], $0x1340  }
0x206: {  	[sflag:s29] =	ssyncset.done $0x0  }
0x207: {  	s31 =	rddreg [dreg:$0x17];
	[sflag:s29] =	ssyncadd.s32 $0xFFFFECC0  }
0x208: {  	[spmem:s31] =	stream.linear.scatter [tilespmem:s28], [sflag:$0xA], $0x1340, $0x38;
	[tilespmem:$0x1EE28] =	vst v63  }
0x209: {  	_ =	swait.ge [sflag:s26], $0x1900  }
0x20a: {  	[sflag:s26] =	ssyncset.done $0x0  }
0x20b: {  	[sflag:s26] =	ssyncadd.s32 $0xFFFFE700  }
0x20c: {  	_ =	swait.ge [sflag:s25], $0x1340  }
0x20d: {  	[sflag:s25] =	ssyncset.done $0x0  }
0x20e: {  	[sflag:s25] =	ssyncadd.s32 $0xFFFFECC0  }
0x20f: {  	[bflag:$0x0] =	sbarrier.arrive $0xFFFF  }
0x210: {  	s1 =	rddreg [dreg:$0x18]  }
0x211: {  	[tilespmem:s16], [sflag:$0x1] =	stream.linear.gather [hbm4b:s1+s2], $0x3200, $0x38;
	[tilespmem:$0x1EE28] =	vst v63  }
0x212: {  	_ =	swait.ge [sflag:s20], $0x3200  }
0x213: {  	[sflag:s20] =	ssyncset.done $0x0  }
0x214: {  	[sflag:s20] =	ssyncadd.s32 $0xFFFFCE00  }
0x215: {  	[tilespmem:s14], [sflag:$0x3] =	stream.indirect.gather [spmem:s3], $0x1, s16, s7, $0xb8;
	[tilespmem:$0x1EE28] =	vst v63  }
0x216: {  	s25 =	rddreg [dreg:$0x19]  }
0x217: {  	[tilespmem:s9], [sflag:$0x2] =	stream.linear.gather [hbm4b:s25+s2], $0x3200, $0x38;
	[tilespmem:$0x1EE28] =	vst v63  }
0x218: {  	_ =	swait.ge [sflag:s19], $0x3200  }
0x219: {  	[sflag:s19] =	ssyncset.done $0x0  }
0x21a: {  	s26 =	rddreg [dreg:$0x1a];
	[sflag:s19] =	ssyncadd.s32 $0xFFFFCE00  }
0x21b: {  	[hbm4b:s26+s2] =	stream.linear.scatter [tilespmem:s14], [sflag:$0x5], $0x3200, $0x38;
	[tilespmem:$0x1EE28] =	vst v63  }
0x21c: {  	_ =	swait.ge [sflag:s17], $0x3200  }
0x21d: {  	[sflag:s17] =	ssyncset.done $0x0  }
0x21e: {  	[sflag:s17] =	ssyncadd.s32 $0xFFFFCE00  }
0x21f: {  	[tilespmem:s11], [sflag:$0x4] =	stream.indirect.gather [spmem:s3], $0x1, s9, s7, $0xb8;
	[tilespmem:$0x1EE28] =	vst v63  }
0x220: {  	s28 =	rddreg [dreg:$0x1b]  }
0x221: {  	[tilespmem:s16], [sflag:$0x1] =	stream.linear.gather [hbm4b:s28+s2], $0x3200, $0x38;
	[tilespmem:$0x1EE28] =	vst v63  }
0x222: {  	_ =	swait.ge [sflag:s13], $0x3200  }
0x223: {  	[sflag:s13] =	ssyncset.done $0x0  }
0x224: {  	s29 =	rddreg [dreg:$0x1c];
	[sflag:s13] =	ssyncadd.s32 $0xFFFFCE00  }
0x225: {  	[hbm4b:s29+s2] =	stream.linear.scatter [tilespmem:s11], [sflag:$0x6], $0x3200, $0x38;
	[tilespmem:$0x1EE28] =	vst v63  }
0x226: {  	_ =	swait.ge [sflag:s20], $0x3200  }
0x227: {  	[sflag:s20] =	ssyncset.done $0x0  }
0x228: {  	[sflag:s20] =	ssyncadd.s32 $0xFFFFCE00  }
0x229: {  	_ =	swait.ge [sflag:s10], $0x3200  }
0x22a: {  	[sflag:s10] =	ssyncset.done $0x0  }
0x22b: {  	[sflag:s10] =	ssyncadd.s32 $0xFFFFCE00  }
0x22c: {  	[tilespmem:s14], [sflag:$0x3] =	stream.indirect.gather [spmem:s3], $0x1, s16, s7, $0xb8;
	[tilespmem:$0x1EE28] =	vst v63  }
0x22d: {  	s30 =	rddreg [dreg:$0x1d]  }
0x22e: {  	[tilespmem:s9], [sflag:$0x2] =	stream.linear.gather [hbm4b:s30+s2], $0x3200, $0x38;
	[tilespmem:$0x1EE28] =	vst v63  }
0x22f: {  	_ =	swait.ge [sflag:s19], $0x3200  }
0x230: {  	[sflag:s19] =	ssyncset.done $0x0  }
0x231: {  	[sflag:s19] =	ssyncadd.s32 $0xFFFFCE00  }
0x232: {  	[hbm4b:s24+s2] =	stream.linear.scatter [tilespmem:s14], [sflag:$0x5], $0x3200, $0x38;
	[tilespmem:$0x1EE28] =	vst v63  }
0x233: {  	_ =	swait.ge [sflag:s17], $0x3200  }
0x234: {  	[sflag:s17] =	ssyncset.done $0x0  }
0x235: {  	[sflag:s17] =	ssyncadd.s32 $0xFFFFCE00  }
0x236: {  	_ =	swait.ge [sflag:s8], $0x3200  }
0x237: {  	[sflag:s8] =	ssyncset.done $0x0  }
0x238: {  	[sflag:s8] =	ssyncadd.s32 $0xFFFFCE00  }
0x239: {  	[tilespmem:s11], [sflag:$0x4] =	stream.indirect.gather [spmem:s3], $0x1, s9, s7, $0xb8;
	[tilespmem:$0x1EE28] =	vst v63  }
0x23a: {  	_ = 	snop  }
0x23b: {  	[tilespmem:s16], [sflag:$0x1] =	stream.linear.gather [hbm4b:s23+s2], $0x3200, $0x38;
	[tilespmem:$0x1EE28] =	vst v63  }
0x23c: {  	_ =	swait.ge [sflag:s13], $0x3200  }
0x23d: {  	[sflag:s13] =	ssyncset.done $0x0  }
0x23e: {  	[sflag:s13] =	ssyncadd.s32 $0xFFFFCE00  }
0x23f: {  	[hbm4b:s22+s2] =	stream.linear.scatter [tilespmem:s11], [sflag:$0x6], $0x3200, $0x38;
	[tilespmem:$0x1EE28] =	vst v63  }
0x240: {  	_ =	swait.ge [sflag:s20], $0x3200  }
0x241: {  	[sflag:s20] =	ssyncset.done $0x0  }
0x242: {  	[sflag:s20] =	ssyncadd.s32 $0xFFFFCE00  }
0x243: {  	_ =	swait.ge [sflag:s10], $0x3200  }
0x244: {  	[sflag:s10] =	ssyncset.done $0x0  }
0x245: {  	[sflag:s10] =	ssyncadd.s32 $0xFFFFCE00  }
0x246: {  	[tilespmem:s14], [sflag:$0x3] =	stream.indirect.gather [spmem:s3], $0x1, s16, s7, $0xb8;
	[tilespmem:$0x1EE28] =	vst v63  }
0x247: {  	_ = 	snop  }
0x248: {  	[tilespmem:s9], [sflag:$0x2] =	stream.linear.gather [hbm4b:s21+s2], $0x3200, $0x38;
	[tilespmem:$0x1EE28] =	vst v63  }
0x249: {  	_ =	swait.ge [sflag:s19], $0x3200  }
0x24a: {  	[sflag:s19] =	ssyncset.done $0x0  }
0x24b: {  	[sflag:s19] =	ssyncadd.s32 $0xFFFFCE00  }
0x24c: {  	[hbm4b:s18+s2] =	stream.linear.scatter [tilespmem:s14], [sflag:$0x5], $0x3200, $0x38;
	[tilespmem:$0x1EE28] =	vst v63  }
0x24d: {  	_ =	swait.ge [sflag:s17], $0x3200  }
0x24e: {  	[sflag:s17] =	ssyncset.done $0x0  }
0x24f: {  	[sflag:s17] =	ssyncadd.s32 $0xFFFFCE00  }
0x250: {  	_ =	swait.ge [sflag:s8], $0x3200  }
0x251: {  	[sflag:s8] =	ssyncset.done $0x0  }
0x252: {  	[sflag:s8] =	ssyncadd.s32 $0xFFFFCE00  }
0x253: {  	[tilespmem:s11], [sflag:$0x4] =	stream.indirect.gather [spmem:s3], $0x1, s9, s7, $0xb8;
	[tilespmem:$0x1EE28] =	vst v63  }
0x254: {  	_ = 	snop  }
0x255: {  	[tilespmem:s16], [sflag:$0x1] =	stream.linear.gather [hbm4b:s15+s2], $0x3200, $0x38;
	[tilespmem:$0x1EE28] =	vst v63  }
0x256: {  	_ =	swait.ge [sflag:s13], $0x3200  }
0x257: {  	[sflag:s13] =	ssyncset.done $0x0  }
0x258: {  	[sflag:s13] =	ssyncadd.s32 $0xFFFFCE00  }
0x259: {  	[hbm4b:s12+s2] =	stream.linear.scatter [tilespmem:s11], [sflag:$0x6], $0x3200, $0x38;
	[tilespmem:$0x1EE28] =	vst v63  }
0x25a: {  	_ =	swait.ge [sflag:s20], $0x3200  }
0x25b: {  	[sflag:s20] =	ssyncset.done $0x0  }
0x25c: {  	[sflag:s20] =	ssyncadd.s32 $0xFFFFCE00  }
0x25d: {  	_ =	swait.ge [sflag:s10], $0x3200  }
0x25e: {  	[sflag:s10] =	ssyncset.done $0x0  }
0x25f: {  	[sflag:s10] =	ssyncadd.s32 $0xFFFFCE00  }
0x260: {  	[tilespmem:s14], [sflag:$0x3] =	stream.indirect.gather [spmem:s3], $0x1, s16, s7, $0xb8;
	[tilespmem:$0x1EE28] =	vst v63  }
0x261: {  	_ = 	snop  }
0x262: {  	[tilespmem:s9], [sflag:$0x2] =	stream.linear.gather [hbm4b:s6+s2], $0x3200, $0x38;
	[tilespmem:$0x1EE28] =	vst v63  }
0x263: {  	_ =	swait.ge [sflag:s19], $0x3200  }
0x264: {  	[sflag:s19] =	ssyncset.done $0x0  }
0x265: {  	[sflag:s19] =	ssyncadd.s32 $0xFFFFCE00  }
0x266: {  	[hbm4b:s5+s2] =	stream.linear.scatter [tilespmem:s14], [sflag:$0x5], $0x3200, $0x38;
	[tilespmem:$0x1EE28] =	vst v63  }
0x267: {  	_ =	swait.ge [sflag:s17], $0x3200  }
0x268: {  	[sflag:s17] =	ssyncset.done $0x0  }
0x269: {  	[sflag:s17] =	ssyncadd.s32 $0xFFFFCE00  }
0x26a: {  	_ =	swait.ge [sflag:s8], $0x3200  }
0x26b: {  	[sflag:s8] =	ssyncset.done $0x0  }
0x26c: {  	[sflag:s8] =	ssyncadd.s32 $0xFFFFCE00  }
0x26d: {  	[tilespmem:s11], [sflag:$0x4] =	stream.indirect.gather [spmem:s3], $0x1, s9, s7, $0xb8;
	[tilespmem:$0x1EE28] =	vst v63  }
0x26e: {  	_ =	swait.ge [sflag:s13], $0x3200  }
0x26f: {  	[sflag:s13] =	ssyncset.done $0x0  }
0x270: {  	[sflag:s13] =	ssyncadd.s32 $0xFFFFCE00  }
0x271: {  	[hbm4b:s4+s2] =	stream.linear.scatter [tilespmem:s11], [sflag:$0x6], $0x3200, $0x38;
	[tilespmem:$0x1EE28] =	vst v63  }
0x272: {  	_ =	swait.ge [sflag:s10], $0x3200  }
0x273: {  	[sflag:s10] =	ssyncset.done $0x0  }
0x274: {  	[sflag:s10] =	ssyncadd.s32 $0xFFFFCE00  }
0x275: {  	_ =	swait.ge [sflag:s8], $0x3200  }
0x276: {  	[sflag:s8] =	ssyncset.done $0x0  }
0x277: {  	[sflag:s8] =	ssyncadd.s32 $0xFFFFCE00  }
0x278: {  	_ =	sfence.sel $0x180000  }
0x279: {  	[bflag:$0x0] =	sbarrier.arrive $0xFFFF  }
0x27a: {  	_ =	strace $0x90000047  }
0x27b: {  	s31 =	stileid.u32;
	[bflag:$0x2] =	sbarrier.arrive $0xFFFF  }
0x27c: {  	p0 =	sne.s32 s31, $0x0;
	s0 =	rddreg [dreg:$0x3]  }
0x27d: {  	s0 =	sadd.s32 @!p0 $0x100000, s0  }
0x27e: {  	[sflag:s0] =	ssyncadd.tile.s32 @!p0 $0x1;
	_ =	shalt  }
.Lfunc_end2:
_tile_overlayer_lowered:
.L_overlay_start_2:
0x27f: {  	(tag) =	ssettag $0x2  }
0x280: {  	s0 =	rddreg [dreg:$0x0];
	s2 =	stileid.u32  }
0x281: {  	s1 =	rddreg [dreg:$0x1];
	p0 =	sne.s32 s2, $0x0  }
0x282: {  	s3 =	rddreg [dreg:$0x2];
	[bflag:$0x3] =	sbarrier.arrive $0xFFFF;
	s2 =	simm.s32 @!p0 $0x1C0B  }
0x283: {  	[timem:s3], [sflag:s2] =	dma.local @!p0 [hbm:s0], s1  }
0x284: {  	s0 =	simm.s32 @!p0 $0xB  }
0x285: {  	_ =	swait.ge @!p0 [sflag:s0], s1  }
0x286: {  	s1 =	ssub.s32 @!p0 $0x0, s1;
	[sflag:s0] =	ssyncset.done @!p0 $0x0  }
0x287: {  	[sflag:s0] =	ssyncadd.s32 @!p0 s1  }
0x288: {  	[bflag:$0x3] =	sbarrier.arrive $0xFFFF  }
0x289: {  	_ =	shalt  }

</sc_bundles>
